<compile_context>
chip_gen: v7x
topology: tpu7x:2x2x1
jax: 0.10.2.dev20260603
libtpu: 0.0.44.dev20260713+nightly
codegen_flags: <defaults>
</compile_context>

<pallas_src>
import functools

import jax
import jax.numpy as jnp
from jax import lax
from jax.experimental import pallas as pl
from jax.experimental.pallas import tpu as pltpu
from jax.experimental.pallas import tpu_sc as plsc

N_NODES = 10000
N_EDGES = 320000
D = 128

NC = 2
NS = 16
NW = NC * NS

NPAD = 10240
RPT = NPAD // NS
C = 128
EPT = 10240
E_PAD = NW * EPT
ITERS = EPT // C
DEGW = 128
DEGW_OUT = 16


def _sc_sums(xpad, zpad, idx):
    mesh = plsc.VectorSubcoreMesh(core_axis_name="c", subcore_axis_name="s",
                                  num_cores=NC, num_subcores=NS)

    @functools.partial(
        pl.kernel,
        out_type=jax.ShapeDtypeStruct((NC * NPAD, D), jnp.float32),
        mesh=mesh,
        name="sc_sums",
        scratch_types=[
            pltpu.VMEM((2, C), jnp.int32),
            pltpu.VMEM((C, D), jnp.float32),
            pltpu.VMEM((2, C), jnp.int32),
            pltpu.VMEM((C, D), jnp.float32),
            pltpu.SemaphoreType.DMA,
            pltpu.SemaphoreType.DMA,
            pltpu.SemaphoreType.DMA,
            pltpu.SemaphoreType.DMA,
            pltpu.VMEM_SHARED((NPAD, D), jnp.float32),
        ],
    )
    def sums_kernel(x_hbm, z_hbm, idx_hbm, sum_out,
                    ia, ra, ib, rb, sema, semb, semia, semib, acc):
        c = lax.axis_index("c")
        s = lax.axis_index("s")
        w = c * NS + s
        ibase = w * ITERS

        @pl.when(c == 0)
        def _initx():
            pltpu.sync_copy(x_hbm.at[pl.ds(s * RPT, RPT)],
                            acc.at[pl.ds(s * RPT, RPT)])

        @pl.when(c == 1)
        def _initz():
            pltpu.sync_copy(z_hbm.at[pl.ds(s * RPT, RPT)],
                            acc.at[pl.ds(s * RPT, RPT)])

        plsc.subcore_barrier()

        def wait_idx(iref, sem):
            pltpu.make_async_copy(idx_hbm.at[0], iref, sem).wait()

        def wait_rows(rref, sem):
            pltpu.make_async_copy(x_hbm.at[pl.ds(0, C)], rref, sem).wait()

        pltpu.sync_copy(idx_hbm.at[ibase], ia)
        pltpu.async_copy(x_hbm.at[ia.at[0]], ra, sema)
        pltpu.async_copy(idx_hbm.at[ibase + 1], ib, semib)

        @pl.loop(0, ITERS // 2 - 1)
        def _edges(p):
            wait_idx(ib, semib)
            wait_rows(ra, sema)
            pltpu.async_copy(x_hbm.at[ib.at[0]], rb, semb)
            pltpu.sync_copy(ra, acc.at[ia.at[1]], add=True)
            pltpu.async_copy(idx_hbm.at[ibase + 2 * p + 2], ia, semia)
            wait_idx(ia, semia)
            wait_rows(rb, semb)
            pltpu.async_copy(x_hbm.at[ia.at[0]], ra, sema)
            pltpu.sync_copy(rb, acc.at[ib.at[1]], add=True)
            pltpu.async_copy(idx_hbm.at[ibase + 2 * p + 3], ib, semib)

        wait_idx(ib, semib)
        wait_rows(ra, sema)
        pltpu.async_copy(x_hbm.at[ib.at[0]], rb, semb)
        pltpu.sync_copy(ra, acc.at[ia.at[1]], add=True)
        wait_rows(rb, semb)
        pltpu.sync_copy(rb, acc.at[ib.at[1]], add=True)

        plsc.subcore_barrier()

        pltpu.sync_copy(acc.at[pl.ds(s * RPT, RPT)],
                        sum_out.at[pl.ds(c * NPAD + s * RPT, RPT)])

    return sums_kernel(xpad, zpad, idx)


def _sc_degree(zpad, dst):
    mesh = plsc.VectorSubcoreMesh(core_axis_name="c", subcore_axis_name="s",
                                  num_cores=NC, num_subcores=NS)

    @functools.partial(
        pl.kernel,
        out_type=jax.ShapeDtypeStruct((NC * NPAD, DEGW), jnp.float32),
        mesh=mesh,
        name="sc_deg",
        scratch_types=[
            pltpu.VMEM((C, DEGW), jnp.float32),
            pltpu.VMEM((C,), jnp.int32),
            pltpu.VMEM((C,), jnp.int32),
            pltpu.SemaphoreType.DMA,
            pltpu.SemaphoreType.DMA,
            pltpu.VMEM_SHARED((NPAD, DEGW), jnp.float32),
        ],
    )
    def deg_kernel(x_hbm, dst_hbm, deg_out, ones, da, db, sema, semb, dacc):
        c = lax.axis_index("c")
        s = lax.axis_index("s")
        w = c * NS + s
        ebase = w * EPT

        zero16 = jnp.zeros((16,), jnp.float32)
        onehot = jnp.where(lax.iota(jnp.int32, 16) == 0,
                           jnp.float32(1), jnp.float32(0))

        @pl.loop(0, C)
        def _fill(i):
            ones[i, pl.ds(0, 16)] = onehot
            for j in range(1, DEGW // 16):
                ones[i, pl.ds(j * 16, 16)] = zero16

        pltpu.sync_copy(x_hbm.at[pl.ds(s * RPT, RPT)],
                        dacc.at[pl.ds(s * RPT, RPT)])

        plsc.subcore_barrier()

        pltpu.async_copy(dst_hbm.at[pl.ds(ebase, C)], da, sema)

        @pl.loop(0, ITERS // 2 - 1)
        def _edges(p):
            pltpu.async_copy(
                dst_hbm.at[pl.ds(ebase + (2 * p + 1) * C, C)], db, semb)
            pltpu.make_async_copy(dst_hbm.at[pl.ds(0, C)], da, sema).wait()
            pltpu.sync_copy(ones, dacc.at[da], add=True)
            pltpu.async_copy(
                dst_hbm.at[pl.ds(ebase + (2 * p + 2) * C, C)], da, sema)
            pltpu.make_async_copy(dst_hbm.at[pl.ds(0, C)], db, semb).wait()
            pltpu.sync_copy(ones, dacc.at[db], add=True)

        pltpu.async_copy(
            dst_hbm.at[pl.ds(ebase + (ITERS - 1) * C, C)], db, semb)
        pltpu.make_async_copy(dst_hbm.at[pl.ds(0, C)], da, sema).wait()
        pltpu.sync_copy(ones, dacc.at[da], add=True)
        pltpu.make_async_copy(dst_hbm.at[pl.ds(0, C)], db, semb).wait()
        pltpu.sync_copy(ones, dacc.at[db], add=True)

        plsc.subcore_barrier()

        pltpu.sync_copy(dacc.at[pl.ds(s * RPT, RPT)],
                        deg_out.at[pl.ds(c * NPAD + s * RPT, RPT)])

    return deg_kernel(zpad, dst)


BR = 256


def _tc_matmul_body(s0_ref, s1_ref, w_ref, o_ref):
    total = s0_ref[...] + s1_ref[...]
    o_ref[...] = jnp.dot(total, w_ref[...],
                         preferred_element_type=jnp.float32)


def _tc_matmul(sums, W):
    grid = NPAD // BR
    return pl.pallas_call(
        _tc_matmul_body,
        grid=(grid,),
        in_specs=[
            pl.BlockSpec((BR, D), lambda i: (i, 0)),
            pl.BlockSpec((BR, D), lambda i, _g=grid: (i + _g, 0)),
            pl.BlockSpec((D, D), lambda i: (0, 0)),
        ],
        out_specs=pl.BlockSpec((BR, D), lambda i: (i, 0)),
        out_shape=jax.ShapeDtypeStruct((NPAD, D), jnp.float32),
    )(sums, sums, W)


def _tc_finish_body(p_ref, d0_ref, d1_ref, b_ref, o_ref):
    deg = d0_ref[:, 0:1] + d1_ref[:, 0:1] + 1.0
    h = jnp.maximum(p_ref[...] / deg + b_ref[...], 0.0)
    n = jnp.sqrt(jnp.sum(h * h, axis=1, keepdims=True))
    o_ref[...] = h / jnp.maximum(n, 1e-12)


def _tc_finish(P, degs, b2):
    grid = NPAD // BR
    return pl.pallas_call(
        _tc_finish_body,
        grid=(grid,),
        in_specs=[
            pl.BlockSpec((BR, D), lambda i: (i, 0)),
            pl.BlockSpec((BR, DEGW), lambda i: (i, 0)),
            pl.BlockSpec((BR, DEGW), lambda i, _g=grid: (i + _g, 0)),
            pl.BlockSpec((1, D), lambda i: (0, 0)),
        ],
        out_specs=pl.BlockSpec((BR, D), lambda i: (i, 0)),
        out_shape=jax.ShapeDtypeStruct((NPAD, D), jnp.float32),
    )(P, degs, degs, b2)


def kernel(x, edge_index, W, b):
    ept_real = N_EDGES // NW
    per_tile_pad = EPT - ept_real
    pad_dst = jnp.broadcast_to(
        jnp.arange(N_NODES, NPAD, dtype=jnp.int32), (NW, per_tile_pad))
    pad_src = jnp.broadcast_to(
        jnp.arange(per_tile_pad, dtype=jnp.int32) * 41, (NW, per_tile_pad))
    src = jnp.concatenate(
        [edge_index[0].reshape(NW, ept_real), pad_src], axis=1).reshape(-1)
    dst = jnp.concatenate(
        [edge_index[1].reshape(NW, ept_real), pad_dst], axis=1).reshape(-1)
    idx = jnp.stack([src.reshape(NW * ITERS, C),
                     dst.reshape(NW * ITERS, C)], axis=1)
    xpad = jnp.pad(x, ((0, NPAD - N_NODES), (0, 0)))
    zpad = jnp.zeros((NPAD, D), jnp.float32)
    sums = _sc_sums(xpad, zpad, idx)
    degs = _sc_degree(zpad, dst)
    P = _tc_matmul(sums, W)
    h = _tc_finish(P, degs, b.reshape(1, D))
    return h[:N_NODES]

# --- scband reference (transcript-rebuilt; emitter-appended) ---
"""Pipeline reference for scband-gcnconv-14826227106020 (READ-ONLY COPY).

The authoritative reference and input builder live on the scoring server;
editing this copy changes nothing except your own understanding.
"""

import jax, jax.numpy as jnp
import numpy as np

N_NODES = 10000
N_EDGES = 320000
D_IN = 128
D_OUT = 128


def setup_inputs(seed: int = 0) -> dict:
    key = jax.random.key(seed)
    k1, k2, k3 = jax.random.split(key, 3)
    x = jax.random.normal(k1, (N_NODES, D_IN), dtype=jnp.float32)
    edge_index = jax.random.randint(k2, (2, N_EDGES), 0, N_NODES, dtype=jnp.int32)
    # Learned parameters of the Combine (linear) step
    W = jax.random.normal(k3, (D_IN, D_OUT), dtype=jnp.float32) * (1.0 / np.sqrt(D_IN))
    b = jnp.zeros((D_OUT,), dtype=jnp.float32)
    return {"x": x, "edge_index": edge_index, "W": W, "b": b}


def reference(x, edge_index, W, b):
    # MeanAggregator with self_loop=True: mean over {neighbors} U {self}
    src = edge_index[0]
    dst = edge_index[1]
    msgs = jnp.take(x, src, axis=0)                                   # gather [E, D]
    neigh_sum = jax.ops.segment_sum(msgs, dst, num_segments=x.shape[0])  # scatter-add
    deg = jax.ops.segment_sum(jnp.ones((src.shape[0],), x.dtype), dst,
                              num_segments=x.shape[0])
    agg = (neigh_sum + x) / (deg[:, None] + 1.0)                       # self loop included
    # Combine: linear transform (self_concat=False), activation, L2-normalize
    h = agg @ W + b
    h = jax.nn.relu(h)
    norm = jnp.linalg.norm(h, axis=1, keepdims=True)
    h = h / jnp.maximum(norm, 1e-12)
    return h

if __name__ == "__main__":
    import jax
    _d = setup_inputs()
    print(jax.jit(kernel)(*tuple(_d.values())))

</pallas_src>

<mosaic_0001>
#map = affine_map<(d0, d1) -> (0, 0)>
#map1 = affine_map<(d0, d1) -> (0, 0, 0)>
module attributes {stable_mosaic.version = 14 : i64} {
  func.func @sc_sums(%arg0: i32, %arg1: i32, %arg2: memref<10240x128xf32, #tpu.memory_space<hbm>>, %arg3: memref<10240x128xf32, #tpu.memory_space<hbm>>, %arg4: memref<2560x2x128xi32, #tpu.memory_space<hbm>>, %arg5: memref<20480x128xf32, #tpu.memory_space<hbm>>, %arg6: memref<2x128xi32, #tpu.memory_space<vmem>>, %arg7: memref<128x128xf32, #tpu.memory_space<vmem>>, %arg8: memref<2x128xi32, #tpu.memory_space<vmem>>, %arg9: memref<128x128xf32, #tpu.memory_space<vmem>>, %arg10: memref<!tpu.dma_semaphore, #tpu.memory_space<semaphore_mem>>, %arg11: memref<!tpu.dma_semaphore, #tpu.memory_space<semaphore_mem>>, %arg12: memref<!tpu.dma_semaphore, #tpu.memory_space<semaphore_mem>>, %arg13: memref<!tpu.dma_semaphore, #tpu.memory_space<semaphore_mem>>, %arg14: memref<10240x128xf32, #tpu.memory_space<vmem_shared>>) attributes {dimension_semantics = [#tpu.dimension_semantics<core_parallel>, #tpu.dimension_semantics<subcore_parallel>], iteration_bounds = array<i64: 2, 16>, scalar_prefetch = 0 : i64, scratch_operands = 9 : i64, tpu.core_type = #tpu.core_type<sc_vector_subcore>, window_params = [{transform_indices = #map}, {transform_indices = #map}, {transform_indices = #map1}, {transform_indices = #map}]} {
    %mul3A = arith.constant 16 : i32
    %mul3A_0 = arith.muli %arg0, %mul3A : i32
    %add3A = arith.addi %mul3A_0, %arg1 : i32
    %mul3A_1 = arith.constant 80 : i32
    %mul3A_2 = arith.muli %add3A, %mul3A_1 : i32
    %eq3A = arith.constant 0 : i32
    %eq3A_3 = arith.cmpi eq, %arg0, %eq3A : i32
    %convert_element_type3A = arith.extui %eq3A_3 : i1 to i32
    %cond3A = arith.constant 0 : i32
    %cond3A_4 = arith.cmpi ne, %convert_element_type3A, %cond3A : i32
    scf.if %cond3A_4 {
      %mul3A_66 = arith.constant 640 : i32
      %mul3A_67 = arith.muli %arg1, %mul3A_66 : i32
      %mul3A_68 = arith.constant 640 : i32
      %mul3A_69 = arith.muli %arg1, %mul3A_68 : i32
      "tpu.region"() ({
        %run_scoped3A_70 = tpu.sem_alloc : memref<!tpu.dma_semaphore, #tpu.memory_space<semaphore_mem>>
        %dma_start3A_71 = arith.constant 0 : i32
        %dma_start3A_72 = tpu.memref_slice %arg14[%mul3A_69, %dma_start3A_71] : memref<10240x128xf32, #tpu.memory_space<vmem_shared>> -> memref<640x128xf32, #tpu.memory_space<vmem_shared>>
        %dma_start3A_73 = arith.constant 0 : i32
        %dma_start3A_74 = tpu.memref_slice %arg2[%mul3A_67, %dma_start3A_73] : memref<10240x128xf32, #tpu.memory_space<hbm>> -> memref<640x128xf32, #tpu.memory_space<hbm>>
        tpu.enqueue_dma source(%dma_start3A_74 : memref<640x128xf32, #tpu.memory_space<hbm>>) target(%dma_start3A_72 : memref<640x128xf32, #tpu.memory_space<vmem_shared>>) target_semaphore(%run_scoped3A_70 : memref<!tpu.dma_semaphore, #tpu.memory_space<semaphore_mem>>)
        %dma_wait3A_75 = arith.constant 0 : i32
        %dma_wait3A_76 = tpu.memref_slice %arg14[%mul3A_69, %dma_wait3A_75] : memref<10240x128xf32, #tpu.memory_space<vmem_shared>> -> memref<640x128xf32, #tpu.memory_space<vmem_shared>>
        %dma_wait3A_77 = arith.constant 0 : i32
        %dma_wait3A_78 = tpu.memref_slice %arg2[%mul3A_67, %dma_wait3A_77] : memref<10240x128xf32, #tpu.memory_space<hbm>> -> memref<640x128xf32, #tpu.memory_space<hbm>>
        tpu.wait_dma2 semaphore(%run_scoped3A_70 : memref<!tpu.dma_semaphore, #tpu.memory_space<semaphore_mem>>) src(%dma_wait3A_78 : memref<640x128xf32, #tpu.memory_space<hbm>>) dst(%dma_wait3A_76 : memref<640x128xf32, #tpu.memory_space<vmem_shared>>)
        tpu.yield
      }) : () -> ()
    } else {
    }
    %eq3A_5 = arith.constant 1 : i32
    %eq3A_6 = arith.cmpi eq, %arg0, %eq3A_5 : i32
    %convert_element_type3A_7 = arith.extui %eq3A_6 : i1 to i32
    %cond3A_8 = arith.constant 0 : i32
    %cond3A_9 = arith.cmpi ne, %convert_element_type3A_7, %cond3A_8 : i32
    scf.if %cond3A_9 {
      %mul3A_66 = arith.constant 640 : i32
      %mul3A_67 = arith.muli %arg1, %mul3A_66 : i32
      %mul3A_68 = arith.constant 640 : i32
      %mul3A_69 = arith.muli %arg1, %mul3A_68 : i32
      "tpu.region"() ({
        %run_scoped3A_70 = tpu.sem_alloc : memref<!tpu.dma_semaphore, #tpu.memory_space<semaphore_mem>>
        %dma_start3A_71 = arith.constant 0 : i32
        %dma_start3A_72 = tpu.memref_slice %arg14[%mul3A_69, %dma_start3A_71] : memref<10240x128xf32, #tpu.memory_space<vmem_shared>> -> memref<640x128xf32, #tpu.memory_space<vmem_shared>>
        %dma_start3A_73 = arith.constant 0 : i32
        %dma_start3A_74 = tpu.memref_slice %arg3[%mul3A_67, %dma_start3A_73] : memref<10240x128xf32, #tpu.memory_space<hbm>> -> memref<640x128xf32, #tpu.memory_space<hbm>>
        tpu.enqueue_dma source(%dma_start3A_74 : memref<640x128xf32, #tpu.memory_space<hbm>>) target(%dma_start3A_72 : memref<640x128xf32, #tpu.memory_space<vmem_shared>>) target_semaphore(%run_scoped3A_70 : memref<!tpu.dma_semaphore, #tpu.memory_space<semaphore_mem>>)
        %dma_wait3A_75 = arith.constant 0 : i32
        %dma_wait3A_76 = tpu.memref_slice %arg14[%mul3A_69, %dma_wait3A_75] : memref<10240x128xf32, #tpu.memory_space<vmem_shared>> -> memref<640x128xf32, #tpu.memory_space<vmem_shared>>
        %dma_wait3A_77 = arith.constant 0 : i32
        %dma_wait3A_78 = tpu.memref_slice %arg3[%mul3A_67, %dma_wait3A_77] : memref<10240x128xf32, #tpu.memory_space<hbm>> -> memref<640x128xf32, #tpu.memory_space<hbm>>
        tpu.wait_dma2 semaphore(%run_scoped3A_70 : memref<!tpu.dma_semaphore, #tpu.memory_space<semaphore_mem>>) src(%dma_wait3A_78 : memref<640x128xf32, #tpu.memory_space<hbm>>) dst(%dma_wait3A_76 : memref<640x128xf32, #tpu.memory_space<vmem_shared>>)
        tpu.yield
      }) : () -> ()
    } else {
    }
    %barrier3A = arith.constant 0 : index
    tpu.barrier barrier_id(%barrier3A)
    "tpu.region"() ({
      %run_scoped3A_66 = tpu.sem_alloc : memref<!tpu.dma_semaphore, #tpu.memory_space<semaphore_mem>>
      %dma_start3A_67 = arith.constant 0 : i32
      %dma_start3A_68 = arith.constant 0 : i32
      %dma_start3A_69 = tpu.memref_slice %arg4[%mul3A_2, %dma_start3A_67, %dma_start3A_68] : memref<2560x2x128xi32, #tpu.memory_space<hbm>> -> memref<1x2x128xi32, #tpu.memory_space<hbm>>
      %dma_start3A_70 = tpu.memref_squeeze %dma_start3A_69 : memref<1x2x128xi32, #tpu.memory_space<hbm>> -> memref<2x128xi32, #tpu.memory_space<hbm>>
      %dma_start3A_71 = arith.constant 0 : i32
      %dma_start3A_72 = arith.constant 0 : i32
      %dma_start3A_73 = tpu.memref_slice %arg4[%mul3A_2, %dma_start3A_71, %dma_start3A_72] : memref<2560x2x128xi32, #tpu.memory_space<hbm>> -> memref<1x2x128xi32, #tpu.memory_space<hbm>>
      %dma_start3A_74 = tpu.memref_squeeze %dma_start3A_73 : memref<1x2x128xi32, #tpu.memory_space<hbm>> -> memref<2x128xi32, #tpu.memory_space<hbm>>
      tpu.enqueue_dma source(%dma_start3A_74 : memref<2x128xi32, #tpu.memory_space<hbm>>) target(%arg6 : memref<2x128xi32, #tpu.memory_space<vmem>>) target_semaphore(%run_scoped3A_66 : memref<!tpu.dma_semaphore, #tpu.memory_space<semaphore_mem>>)
      %dma_wait3A_75 = arith.constant 0 : i32
      %dma_wait3A_76 = arith.constant 0 : i32
      %dma_wait3A_77 = tpu.memref_slice %arg4[%mul3A_2, %dma_wait3A_75, %dma_wait3A_76] : memref<2560x2x128xi32, #tpu.memory_space<hbm>> -> memref<1x2x128xi32, #tpu.memory_space<hbm>>
      %dma_wait3A_78 = tpu.memref_squeeze %dma_wait3A_77 : memref<1x2x128xi32, #tpu.memory_space<hbm>> -> memref<2x128xi32, #tpu.memory_space<hbm>>
      %dma_wait3A_79 = arith.constant 0 : i32
      %dma_wait3A_80 = arith.constant 0 : i32
      %dma_wait3A_81 = tpu.memref_slice %arg4[%mul3A_2, %dma_wait3A_79, %dma_wait3A_80] : memref<2560x2x128xi32, #tpu.memory_space<hbm>> -> memref<1x2x128xi32, #tpu.memory_space<hbm>>
      %dma_wait3A_82 = tpu.memref_squeeze %dma_wait3A_81 : memref<1x2x128xi32, #tpu.memory_space<hbm>> -> memref<2x128xi32, #tpu.memory_space<hbm>>
      tpu.wait_dma2 semaphore(%run_scoped3A_66 : memref<!tpu.dma_semaphore, #tpu.memory_space<semaphore_mem>>) src(%dma_wait3A_82 : memref<2x128xi32, #tpu.memory_space<hbm>>) dst(%arg6 : memref<2x128xi32, #tpu.memory_space<vmem>>)
      tpu.yield
    }) : () -> ()
    %dma_start3A = arith.constant 0 : i32
    %dma_start3A_10 = arith.constant 0 : i32
    %dma_start3A_11 = tpu.memref_slice %arg6[%dma_start3A, %dma_start3A_10] : memref<2x128xi32, #tpu.memory_space<vmem>> -> memref<1x128xi32, #tpu.memory_space<vmem>>
    %dma_start3A_12 = tpu.memref_squeeze %dma_start3A_11 : memref<1x128xi32, #tpu.memory_space<vmem>> -> memref<128xi32, #tpu.memory_space<vmem>>
    %dma_start3A_13 = arith.constant 0 : i32
    %dma_start3A_14 = arith.constant 0 : i32
    %dma_start3A_15 = tpu.memref_slice %arg2[%dma_start3A_13, %dma_start3A_14] : memref<10240x128xf32, #tpu.memory_space<hbm>> -> memref<10240x128xf32, #tpu.memory_space<hbm>>
    tpu.enqueue_indirect_dma source(%dma_start3A_15 : memref<10240x128xf32, #tpu.memory_space<hbm>>) target(%arg7 : memref<128x128xf32, #tpu.memory_space<vmem>>) offsets(%dma_start3A_12 : memref<128xi32, #tpu.memory_space<vmem>>) semaphore(%arg10 : memref<!tpu.dma_semaphore, #tpu.memory_space<semaphore_mem>>)
    %add3A_16 = arith.constant 1 : i32
    %add3A_17 = arith.addi %mul3A_2, %add3A_16 : i32
    %dma_start3A_18 = arith.constant 0 : i32
    %dma_start3A_19 = arith.constant 0 : i32
    %dma_start3A_20 = tpu.memref_slice %arg4[%add3A_17, %dma_start3A_18, %dma_start3A_19] : memref<2560x2x128xi32, #tpu.memory_space<hbm>> -> memref<1x2x128xi32, #tpu.memory_space<hbm>>
    %dma_start3A_21 = tpu.memref_squeeze %dma_start3A_20 : memref<1x2x128xi32, #tpu.memory_space<hbm>> -> memref<2x128xi32, #tpu.memory_space<hbm>>
    %dma_start3A_22 = arith.constant 0 : i32
    %dma_start3A_23 = arith.constant 0 : i32
    %dma_start3A_24 = tpu.memref_slice %arg4[%add3A_17, %dma_start3A_22, %dma_start3A_23] : memref<2560x2x128xi32, #tpu.memory_space<hbm>> -> memref<1x2x128xi32, #tpu.memory_space<hbm>>
    %dma_start3A_25 = tpu.memref_squeeze %dma_start3A_24 : memref<1x2x128xi32, #tpu.memory_space<hbm>> -> memref<2x128xi32, #tpu.memory_space<hbm>>
    tpu.enqueue_dma source(%dma_start3A_25 : memref<2x128xi32, #tpu.memory_space<hbm>>) target(%arg8 : memref<2x128xi32, #tpu.memory_space<vmem>>) target_semaphore(%arg13 : memref<!tpu.dma_semaphore, #tpu.memory_space<semaphore_mem>>)
    %scan3A = arith.constant 0 : i32
    %scan3A_26 = arith.constant 39 : i32
    %scan3A_27 = arith.addi %scan3A, %scan3A_26 : i32
    %scan3A_28 = arith.constant 1 : i32
    scf.for %scan3A_66 = %scan3A to %scan3A_27 step %scan3A_28  : i32 {
      %mul3A_67 = arith.constant 1 : i32
      %mul3A_68 = arith.muli %scan3A_66, %mul3A_67 : i32
      %add3A_69 = arith.constant 0 : i32
      %add3A_70 = arith.addi %add3A_69, %mul3A_68 : i32
      %dma_wait3A_71 = arith.constant 0 : i32
      %dma_wait3A_72 = arith.constant 0 : i32
      %dma_wait3A_73 = arith.constant 0 : i32
      %dma_wait3A_74 = tpu.memref_slice %arg4[%dma_wait3A_71, %dma_wait3A_72, %dma_wait3A_73] : memref<2560x2x128xi32, #tpu.memory_space<hbm>> -> memref<1x2x128xi32, #tpu.memory_space<hbm>>
      %dma_wait3A_75 = tpu.memref_squeeze %dma_wait3A_74 : memref<1x2x128xi32, #tpu.memory_space<hbm>> -> memref<2x128xi32, #tpu.memory_space<hbm>>
      %dma_wait3A_76 = arith.constant 0 : i32
      %dma_wait3A_77 = arith.constant 0 : i32
      %dma_wait3A_78 = tpu.memref_slice %arg4[%dma_wait3A_71, %dma_wait3A_76, %dma_wait3A_77] : memref<2560x2x128xi32, #tpu.memory_space<hbm>> -> memref<1x2x128xi32, #tpu.memory_space<hbm>>
      %dma_wait3A_79 = tpu.memref_squeeze %dma_wait3A_78 : memref<1x2x128xi32, #tpu.memory_space<hbm>> -> memref<2x128xi32, #tpu.memory_space<hbm>>
      tpu.wait_dma2 semaphore(%arg13 : memref<!tpu.dma_semaphore, #tpu.memory_space<semaphore_mem>>) src(%dma_wait3A_79 : memref<2x128xi32, #tpu.memory_space<hbm>>) dst(%arg8 : memref<2x128xi32, #tpu.memory_space<vmem>>)
      %dma_wait3A_80 = arith.constant 0 : i32
      %dma_wait3A_81 = arith.constant 0 : i32
      %dma_wait3A_82 = tpu.memref_slice %arg2[%dma_wait3A_80, %dma_wait3A_81] : memref<10240x128xf32, #tpu.memory_space<hbm>> -> memref<128x128xf32, #tpu.memory_space<hbm>>
      %dma_wait3A_83 = arith.constant 0 : i32
      %dma_wait3A_84 = arith.constant 0 : i32
      %dma_wait3A_85 = tpu.memref_slice %arg2[%dma_wait3A_83, %dma_wait3A_84] : memref<10240x128xf32, #tpu.memory_space<hbm>> -> memref<128x128xf32, #tpu.memory_space<hbm>>
      tpu.wait_dma2 semaphore(%arg10 : memref<!tpu.dma_semaphore, #tpu.memory_space<semaphore_mem>>) src(%dma_wait3A_85 : memref<128x128xf32, #tpu.memory_space<hbm>>) dst(%arg7 : memref<128x128xf32, #tpu.memory_space<vmem>>)
      %dma_start3A_86 = arith.constant 0 : i32
      %dma_start3A_87 = arith.constant 0 : i32
      %dma_start3A_88 = tpu.memref_slice %arg8[%dma_start3A_86, %dma_start3A_87] : memref<2x128xi32, #tpu.memory_space<vmem>> -> memref<1x128xi32, #tpu.memory_space<vmem>>
      %dma_start3A_89 = tpu.memref_squeeze %dma_start3A_88 : memref<1x128xi32, #tpu.memory_space<vmem>> -> memref<128xi32, #tpu.memory_space<vmem>>
      %dma_start3A_90 = arith.constant 0 : i32
      %dma_start3A_91 = arith.constant 0 : i32
      %dma_start3A_92 = tpu.memref_slice %arg2[%dma_start3A_90, %dma_start3A_91] : memref<10240x128xf32, #tpu.memory_space<hbm>> -> memref<10240x128xf32, #tpu.memory_space<hbm>>
      tpu.enqueue_indirect_dma source(%dma_start3A_92 : memref<10240x128xf32, #tpu.memory_space<hbm>>) target(%arg9 : memref<128x128xf32, #tpu.memory_space<vmem>>) offsets(%dma_start3A_89 : memref<128xi32, #tpu.memory_space<vmem>>) semaphore(%arg11 : memref<!tpu.dma_semaphore, #tpu.memory_space<semaphore_mem>>)
      %run_scoped3A_93 = arith.constant 1 : i32
      "tpu.region"() ({
        %run_scoped3A_143 = tpu.sem_alloc : memref<!tpu.dma_semaphore, #tpu.memory_space<semaphore_mem>>
        %dma_start3A_144 = arith.constant 0 : i32
        %dma_start3A_145 = tpu.memref_slice %arg6[%run_scoped3A_93, %dma_start3A_144] : memref<2x128xi32, #tpu.memory_space<vmem>> -> memref<1x128xi32, #tpu.memory_space<vmem>>
        %dma_start3A_146 = tpu.memref_squeeze %dma_start3A_145 : memref<1x128xi32, #tpu.memory_space<vmem>> -> memref<128xi32, #tpu.memory_space<vmem>>
        %dma_start3A_147 = arith.constant 0 : i32
        %dma_start3A_148 = arith.constant 0 : i32
        %dma_start3A_149 = tpu.memref_slice %arg14[%dma_start3A_147, %dma_start3A_148] : memref<10240x128xf32, #tpu.memory_space<vmem_shared>> -> memref<10240x128xf32, #tpu.memory_space<vmem_shared>>
        tpu.enqueue_indirect_dma source(%arg7 : memref<128x128xf32, #tpu.memory_space<vmem>>) target(%dma_start3A_149 : memref<10240x128xf32, #tpu.memory_space<vmem_shared>>) offsets(%dma_start3A_146 : memref<128xi32, #tpu.memory_space<vmem>>) semaphore(%run_scoped3A_143 : memref<!tpu.dma_semaphore, #tpu.memory_space<semaphore_mem>>) {add = true}
        %dma_wait3A_150 = arith.constant 0 : i32
        %dma_wait3A_151 = tpu.memref_slice %arg6[%run_scoped3A_93, %dma_wait3A_150] : memref<2x128xi32, #tpu.memory_space<vmem>> -> memref<1x128xi32, #tpu.memory_space<vmem>>
        %dma_wait3A_152 = tpu.memref_squeeze %dma_wait3A_151 : memref<1x128xi32, #tpu.memory_space<vmem>> -> memref<128xi32, #tpu.memory_space<vmem>>
        %dma_wait3A_153 = arith.constant 0 : i32
        %dma_wait3A_154 = arith.constant 0 : i32
        %dma_wait3A_155 = tpu.memref_slice %arg14[%dma_wait3A_153, %dma_wait3A_154] : memref<10240x128xf32, #tpu.memory_space<vmem_shared>> -> memref<10240x128xf32, #tpu.memory_space<vmem_shared>>
        tpu.wait_indirect_dma semaphore(%run_scoped3A_143 : memref<!tpu.dma_semaphore, #tpu.memory_space<semaphore_mem>>) src(%arg7 : memref<128x128xf32, #tpu.memory_space<vmem>>) dst(%dma_wait3A_155 : memref<10240x128xf32, #tpu.memory_space<vmem_shared>>)
        tpu.yield
      }) : () -> ()
      %mul3A_94 = arith.constant 2 : i32
      %mul3A_95 = arith.muli %mul3A_94, %add3A_70 : i32
      %add3A_96 = arith.addi %mul3A_2, %mul3A_95 : i32
      %add3A_97 = arith.constant 2 : i32
      %add3A_98 = arith.addi %add3A_96, %add3A_97 : i32
      %dma_start3A_99 = arith.constant 0 : i32
      %dma_start3A_100 = arith.constant 0 : i32
      %dma_start3A_101 = tpu.memref_slice %arg4[%add3A_98, %dma_start3A_99, %dma_start3A_100] : memref<2560x2x128xi32, #tpu.memory_space<hbm>> -> memref<1x2x128xi32, #tpu.memory_space<hbm>>
      %dma_start3A_102 = tpu.memref_squeeze %dma_start3A_101 : memref<1x2x128xi32, #tpu.memory_space<hbm>> -> memref<2x128xi32, #tpu.memory_space<hbm>>
      %dma_start3A_103 = arith.constant 0 : i32
      %dma_start3A_104 = arith.constant 0 : i32
      %dma_start3A_105 = tpu.memref_slice %arg4[%add3A_98, %dma_start3A_103, %dma_start3A_104] : memref<2560x2x128xi32, #tpu.memory_space<hbm>> -> memref<1x2x128xi32, #tpu.memory_space<hbm>>
      %dma_start3A_106 = tpu.memref_squeeze %dma_start3A_105 : memref<1x2x128xi32, #tpu.memory_space<hbm>> -> memref<2x128xi32, #tpu.memory_space<hbm>>
      tpu.enqueue_dma source(%dma_start3A_106 : memref<2x128xi32, #tpu.memory_space<hbm>>) target(%arg6 : memref<2x128xi32, #tpu.memory_space<vmem>>) target_semaphore(%arg12 : memref<!tpu.dma_semaphore, #tpu.memory_space<semaphore_mem>>)
      %dma_wait3A_107 = arith.constant 0 : i32
      %dma_wait3A_108 = arith.constant 0 : i32
      %dma_wait3A_109 = arith.constant 0 : i32
      %dma_wait3A_110 = tpu.memref_slice %arg4[%dma_wait3A_107, %dma_wait3A_108, %dma_wait3A_109] : memref<2560x2x128xi32, #tpu.memory_space<hbm>> -> memref<1x2x128xi32, #tpu.memory_space<hbm>>
      %dma_wait3A_111 = tpu.memref_squeeze %dma_wait3A_110 : memref<1x2x128xi32, #tpu.memory_space<hbm>> -> memref<2x128xi32, #tpu.memory_space<hbm>>
      %dma_wait3A_112 = arith.constant 0 : i32
      %dma_wait3A_113 = arith.constant 0 : i32
      %dma_wait3A_114 = tpu.memref_slice %arg4[%dma_wait3A_107, %dma_wait3A_112, %dma_wait3A_113] : memref<2560x2x128xi32, #tpu.memory_space<hbm>> -> memref<1x2x128xi32, #tpu.memory_space<hbm>>
      %dma_wait3A_115 = tpu.memref_squeeze %dma_wait3A_114 : memref<1x2x128xi32, #tpu.memory_space<hbm>> -> memref<2x128xi32, #tpu.memory_space<hbm>>
      tpu.wait_dma2 semaphore(%arg12 : memref<!tpu.dma_semaphore, #tpu.memory_space<semaphore_mem>>) src(%dma_wait3A_115 : memref<2x128xi32, #tpu.memory_space<hbm>>) dst(%arg6 : memref<2x128xi32, #tpu.memory_space<vmem>>)
      %dma_wait3A_116 = arith.constant 0 : i32
      %dma_wait3A_117 = arith.constant 0 : i32
      %dma_wait3A_118 = tpu.memref_slice %arg2[%dma_wait3A_116, %dma_wait3A_117] : memref<10240x128xf32, #tpu.memory_space<hbm>> -> memref<128x128xf32, #tpu.memory_space<hbm>>
      %dma_wait3A_119 = arith.constant 0 : i32
      %dma_wait3A_120 = arith.constant 0 : i32
      %dma_wait3A_121 = tpu.memref_slice %arg2[%dma_wait3A_119, %dma_wait3A_120] : memref<10240x128xf32, #tpu.memory_space<hbm>> -> memref<128x128xf32, #tpu.memory_space<hbm>>
      tpu.wait_dma2 semaphore(%arg11 : memref<!tpu.dma_semaphore, #tpu.memory_space<semaphore_mem>>) src(%dma_wait3A_121 : memref<128x128xf32, #tpu.memory_space<hbm>>) dst(%arg9 : memref<128x128xf32, #tpu.memory_space<vmem>>)
      %dma_start3A_122 = arith.constant 0 : i32
      %dma_start3A_123 = arith.constant 0 : i32
      %dma_start3A_124 = tpu.memref_slice %arg6[%dma_start3A_122, %dma_start3A_123] : memref<2x128xi32, #tpu.memory_space<vmem>> -> memref<1x128xi32, #tpu.memory_space<vmem>>
      %dma_start3A_125 = tpu.memref_squeeze %dma_start3A_124 : memref<1x128xi32, #tpu.memory_space<vmem>> -> memref<128xi32, #tpu.memory_space<vmem>>
      %dma_start3A_126 = arith.constant 0 : i32
      %dma_start3A_127 = arith.constant 0 : i32
      %dma_start3A_128 = tpu.memref_slice %arg2[%dma_start3A_126, %dma_start3A_127] : memref<10240x128xf32, #tpu.memory_space<hbm>> -> memref<10240x128xf32, #tpu.memory_space<hbm>>
      tpu.enqueue_indirect_dma source(%dma_start3A_128 : memref<10240x128xf32, #tpu.memory_space<hbm>>) target(%arg7 : memref<128x128xf32, #tpu.memory_space<vmem>>) offsets(%dma_start3A_125 : memref<128xi32, #tpu.memory_space<vmem>>) semaphore(%arg10 : memref<!tpu.dma_semaphore, #tpu.memory_space<semaphore_mem>>)
      %run_scoped3A_129 = arith.constant 1 : i32
      "tpu.region"() ({
        %run_scoped3A_143 = tpu.sem_alloc : memref<!tpu.dma_semaphore, #tpu.memory_space<semaphore_mem>>
        %dma_start3A_144 = arith.constant 0 : i32
        %dma_start3A_145 = tpu.memref_slice %arg8[%run_scoped3A_129, %dma_start3A_144] : memref<2x128xi32, #tpu.memory_space<vmem>> -> memref<1x128xi32, #tpu.memory_space<vmem>>
        %dma_start3A_146 = tpu.memref_squeeze %dma_start3A_145 : memref<1x128xi32, #tpu.memory_space<vmem>> -> memref<128xi32, #tpu.memory_space<vmem>>
        %dma_start3A_147 = arith.constant 0 : i32
        %dma_start3A_148 = arith.constant 0 : i32
        %dma_start3A_149 = tpu.memref_slice %arg14[%dma_start3A_147, %dma_start3A_148] : memref<10240x128xf32, #tpu.memory_space<vmem_shared>> -> memref<10240x128xf32, #tpu.memory_space<vmem_shared>>
        tpu.enqueue_indirect_dma source(%arg9 : memref<128x128xf32, #tpu.memory_space<vmem>>) target(%dma_start3A_149 : memref<10240x128xf32, #tpu.memory_space<vmem_shared>>) offsets(%dma_start3A_146 : memref<128xi32, #tpu.memory_space<vmem>>) semaphore(%run_scoped3A_143 : memref<!tpu.dma_semaphore, #tpu.memory_space<semaphore_mem>>) {add = true}
        %dma_wait3A_150 = arith.constant 0 : i32
        %dma_wait3A_151 = tpu.memref_slice %arg8[%run_scoped3A_129, %dma_wait3A_150] : memref<2x128xi32, #tpu.memory_space<vmem>> -> memref<1x128xi32, #tpu.memory_space<vmem>>
        %dma_wait3A_152 = tpu.memref_squeeze %dma_wait3A_151 : memref<1x128xi32, #tpu.memory_space<vmem>> -> memref<128xi32, #tpu.memory_space<vmem>>
        %dma_wait3A_153 = arith.constant 0 : i32
        %dma_wait3A_154 = arith.constant 0 : i32
        %dma_wait3A_155 = tpu.memref_slice %arg14[%dma_wait3A_153, %dma_wait3A_154] : memref<10240x128xf32, #tpu.memory_space<vmem_shared>> -> memref<10240x128xf32, #tpu.memory_space<vmem_shared>>
        tpu.wait_indirect_dma semaphore(%run_scoped3A_143 : memref<!tpu.dma_semaphore, #tpu.memory_space<semaphore_mem>>) src(%arg9 : memref<128x128xf32, #tpu.memory_space<vmem>>) dst(%dma_wait3A_155 : memref<10240x128xf32, #tpu.memory_space<vmem_shared>>)
        tpu.yield
      }) : () -> ()
      %mul3A_130 = arith.constant 2 : i32
      %mul3A_131 = arith.muli %mul3A_130, %add3A_70 : i32
      %add3A_132 = arith.addi %mul3A_2, %mul3A_131 : i32
      %add3A_133 = arith.constant 3 : i32
      %add3A_134 = arith.addi %add3A_132, %add3A_133 : i32
      %dma_start3A_135 = arith.constant 0 : i32
      %dma_start3A_136 = arith.constant 0 : i32
      %dma_start3A_137 = tpu.memref_slice %arg4[%add3A_134, %dma_start3A_135, %dma_start3A_136] : memref<2560x2x128xi32, #tpu.memory_space<hbm>> -> memref<1x2x128xi32, #tpu.memory_space<hbm>>
      %dma_start3A_138 = tpu.memref_squeeze %dma_start3A_137 : memref<1x2x128xi32, #tpu.memory_space<hbm>> -> memref<2x128xi32, #tpu.memory_space<hbm>>
      %dma_start3A_139 = arith.constant 0 : i32
      %dma_start3A_140 = arith.constant 0 : i32
      %dma_start3A_141 = tpu.memref_slice %arg4[%add3A_134, %dma_start3A_139, %dma_start3A_140] : memref<2560x2x128xi32, #tpu.memory_space<hbm>> -> memref<1x2x128xi32, #tpu.memory_space<hbm>>
      %dma_start3A_142 = tpu.memref_squeeze %dma_start3A_141 : memref<1x2x128xi32, #tpu.memory_space<hbm>> -> memref<2x128xi32, #tpu.memory_space<hbm>>
      tpu.enqueue_dma source(%dma_start3A_142 : memref<2x128xi32, #tpu.memory_space<hbm>>) target(%arg8 : memref<2x128xi32, #tpu.memory_space<vmem>>) target_semaphore(%arg13 : memref<!tpu.dma_semaphore, #tpu.memory_space<semaphore_mem>>)
    }
    %scan3A_29 = arith.constant 39 : i32
    %dma_wait3A = arith.constant 0 : i32
    %dma_wait3A_30 = arith.constant 0 : i32
    %dma_wait3A_31 = arith.constant 0 : i32
    %dma_wait3A_32 = tpu.memref_slice %arg4[%dma_wait3A, %dma_wait3A_30, %dma_wait3A_31] : memref<2560x2x128xi32, #tpu.memory_space<hbm>> -> memref<1x2x128xi32, #tpu.memory_space<hbm>>
    %dma_wait3A_33 = tpu.memref_squeeze %dma_wait3A_32 : memref<1x2x128xi32, #tpu.memory_space<hbm>> -> memref<2x128xi32, #tpu.memory_space<hbm>>
    %dma_wait3A_34 = arith.constant 0 : i32
    %dma_wait3A_35 = arith.constant 0 : i32
    %dma_wait3A_36 = tpu.memref_slice %arg4[%dma_wait3A, %dma_wait3A_34, %dma_wait3A_35] : memref<2560x2x128xi32, #tpu.memory_space<hbm>> -> memref<1x2x128xi32, #tpu.memory_space<hbm>>
    %dma_wait3A_37 = tpu.memref_squeeze %dma_wait3A_36 : memref<1x2x128xi32, #tpu.memory_space<hbm>> -> memref<2x128xi32, #tpu.memory_space<hbm>>
    tpu.wait_dma2 semaphore(%arg13 : memref<!tpu.dma_semaphore, #tpu.memory_space<semaphore_mem>>) src(%dma_wait3A_37 : memref<2x128xi32, #tpu.memory_space<hbm>>) dst(%arg8 : memref<2x128xi32, #tpu.memory_space<vmem>>)
    %dma_wait3A_38 = arith.constant 0 : i32
    %dma_wait3A_39 = arith.constant 0 : i32
    %dma_wait3A_40 = tpu.memref_slice %arg2[%dma_wait3A_38, %dma_wait3A_39] : memref<10240x128xf32, #tpu.memory_space<hbm>> -> memref<128x128xf32, #tpu.memory_space<hbm>>
    %dma_wait3A_41 = arith.constant 0 : i32
    %dma_wait3A_42 = arith.constant 0 : i32
    %dma_wait3A_43 = tpu.memref_slice %arg2[%dma_wait3A_41, %dma_wait3A_42] : memref<10240x128xf32, #tpu.memory_space<hbm>> -> memref<128x128xf32, #tpu.memory_space<hbm>>
    tpu.wait_dma2 semaphore(%arg10 : memref<!tpu.dma_semaphore, #tpu.memory_space<semaphore_mem>>) src(%dma_wait3A_43 : memref<128x128xf32, #tpu.memory_space<hbm>>) dst(%arg7 : memref<128x128xf32, #tpu.memory_space<vmem>>)
    %dma_start3A_44 = arith.constant 0 : i32
    %dma_start3A_45 = arith.constant 0 : i32
    %dma_start3A_46 = tpu.memref_slice %arg8[%dma_start3A_44, %dma_start3A_45] : memref<2x128xi32, #tpu.memory_space<vmem>> -> memref<1x128xi32, #tpu.memory_space<vmem>>
    %dma_start3A_47 = tpu.memref_squeeze %dma_start3A_46 : memref<1x128xi32, #tpu.memory_space<vmem>> -> memref<128xi32, #tpu.memory_space<vmem>>
    %dma_start3A_48 = arith.constant 0 : i32
    %dma_start3A_49 = arith.constant 0 : i32
    %dma_start3A_50 = tpu.memref_slice %arg2[%dma_start3A_48, %dma_start3A_49] : memref<10240x128xf32, #tpu.memory_space<hbm>> -> memref<10240x128xf32, #tpu.memory_space<hbm>>
    tpu.enqueue_indirect_dma source(%dma_start3A_50 : memref<10240x128xf32, #tpu.memory_space<hbm>>) target(%arg9 : memref<128x128xf32, #tpu.memory_space<vmem>>) offsets(%dma_start3A_47 : memref<128xi32, #tpu.memory_space<vmem>>) semaphore(%arg11 : memref<!tpu.dma_semaphore, #tpu.memory_space<semaphore_mem>>)
    %run_scoped3A = arith.constant 1 : i32
    "tpu.region"() ({
      %run_scoped3A_66 = tpu.sem_alloc : memref<!tpu.dma_semaphore, #tpu.memory_space<semaphore_mem>>
      %dma_start3A_67 = arith.constant 0 : i32
      %dma_start3A_68 = tpu.memref_slice %arg6[%run_scoped3A, %dma_start3A_67] : memref<2x128xi32, #tpu.memory_space<vmem>> -> memref<1x128xi32, #tpu.memory_space<vmem>>
      %dma_start3A_69 = tpu.memref_squeeze %dma_start3A_68 : memref<1x128xi32, #tpu.memory_space<vmem>> -> memref<128xi32, #tpu.memory_space<vmem>>
      %dma_start3A_70 = arith.constant 0 : i32
      %dma_start3A_71 = arith.constant 0 : i32
      %dma_start3A_72 = tpu.memref_slice %arg14[%dma_start3A_70, %dma_start3A_71] : memref<10240x128xf32, #tpu.memory_space<vmem_shared>> -> memref<10240x128xf32, #tpu.memory_space<vmem_shared>>
      tpu.enqueue_indirect_dma source(%arg7 : memref<128x128xf32, #tpu.memory_space<vmem>>) target(%dma_start3A_72 : memref<10240x128xf32, #tpu.memory_space<vmem_shared>>) offsets(%dma_start3A_69 : memref<128xi32, #tpu.memory_space<vmem>>) semaphore(%run_scoped3A_66 : memref<!tpu.dma_semaphore, #tpu.memory_space<semaphore_mem>>) {add = true}
      %dma_wait3A_73 = arith.constant 0 : i32
      %dma_wait3A_74 = tpu.memref_slice %arg6[%run_scoped3A, %dma_wait3A_73] : memref<2x128xi32, #tpu.memory_space<vmem>> -> memref<1x128xi32, #tpu.memory_space<vmem>>
      %dma_wait3A_75 = tpu.memref_squeeze %dma_wait3A_74 : memref<1x128xi32, #tpu.memory_space<vmem>> -> memref<128xi32, #tpu.memory_space<vmem>>
      %dma_wait3A_76 = arith.constant 0 : i32
      %dma_wait3A_77 = arith.constant 0 : i32
      %dma_wait3A_78 = tpu.memref_slice %arg14[%dma_wait3A_76, %dma_wait3A_77] : memref<10240x128xf32, #tpu.memory_space<vmem_shared>> -> memref<10240x128xf32, #tpu.memory_space<vmem_shared>>
      tpu.wait_indirect_dma semaphore(%run_scoped3A_66 : memref<!tpu.dma_semaphore, #tpu.memory_space<semaphore_mem>>) src(%arg7 : memref<128x128xf32, #tpu.memory_space<vmem>>) dst(%dma_wait3A_78 : memref<10240x128xf32, #tpu.memory_space<vmem_shared>>)
      tpu.yield
    }) : () -> ()
    %dma_wait3A_51 = arith.constant 0 : i32
    %dma_wait3A_52 = arith.constant 0 : i32
    %dma_wait3A_53 = tpu.memref_slice %arg2[%dma_wait3A_51, %dma_wait3A_52] : memref<10240x128xf32, #tpu.memory_space<hbm>> -> memref<128x128xf32, #tpu.memory_space<hbm>>
    %dma_wait3A_54 = arith.constant 0 : i32
    %dma_wait3A_55 = arith.constant 0 : i32
    %dma_wait3A_56 = tpu.memref_slice %arg2[%dma_wait3A_54, %dma_wait3A_55] : memref<10240x128xf32, #tpu.memory_space<hbm>> -> memref<128x128xf32, #tpu.memory_space<hbm>>
    tpu.wait_dma2 semaphore(%arg11 : memref<!tpu.dma_semaphore, #tpu.memory_space<semaphore_mem>>) src(%dma_wait3A_56 : memref<128x128xf32, #tpu.memory_space<hbm>>) dst(%arg9 : memref<128x128xf32, #tpu.memory_space<vmem>>)
    %run_scoped3A_57 = arith.constant 1 : i32
    "tpu.region"() ({
      %run_scoped3A_66 = tpu.sem_alloc : memref<!tpu.dma_semaphore, #tpu.memory_space<semaphore_mem>>
      %dma_start3A_67 = arith.constant 0 : i32
      %dma_start3A_68 = tpu.memref_slice %arg8[%run_scoped3A_57, %dma_start3A_67] : memref<2x128xi32, #tpu.memory_space<vmem>> -> memref<1x128xi32, #tpu.memory_space<vmem>>
      %dma_start3A_69 = tpu.memref_squeeze %dma_start3A_68 : memref<1x128xi32, #tpu.memory_space<vmem>> -> memref<128xi32, #tpu.memory_space<vmem>>
      %dma_start3A_70 = arith.constant 0 : i32
      %dma_start3A_71 = arith.constant 0 : i32
      %dma_start3A_72 = tpu.memref_slice %arg14[%dma_start3A_70, %dma_start3A_71] : memref<10240x128xf32, #tpu.memory_space<vmem_shared>> -> memref<10240x128xf32, #tpu.memory_space<vmem_shared>>
      tpu.enqueue_indirect_dma source(%arg9 : memref<128x128xf32, #tpu.memory_space<vmem>>) target(%dma_start3A_72 : memref<10240x128xf32, #tpu.memory_space<vmem_shared>>) offsets(%dma_start3A_69 : memref<128xi32, #tpu.memory_space<vmem>>) semaphore(%run_scoped3A_66 : memref<!tpu.dma_semaphore, #tpu.memory_space<semaphore_mem>>) {add = true}
      %dma_wait3A_73 = arith.constant 0 : i32
      %dma_wait3A_74 = tpu.memref_slice %arg8[%run_scoped3A_57, %dma_wait3A_73] : memref<2x128xi32, #tpu.memory_space<vmem>> -> memref<1x128xi32, #tpu.memory_space<vmem>>
      %dma_wait3A_75 = tpu.memref_squeeze %dma_wait3A_74 : memref<1x128xi32, #tpu.memory_space<vmem>> -> memref<128xi32, #tpu.memory_space<vmem>>
      %dma_wait3A_76 = arith.constant 0 : i32
      %dma_wait3A_77 = arith.constant 0 : i32
      %dma_wait3A_78 = tpu.memref_slice %arg14[%dma_wait3A_76, %dma_wait3A_77] : memref<10240x128xf32, #tpu.memory_space<vmem_shared>> -> memref<10240x128xf32, #tpu.memory_space<vmem_shared>>
      tpu.wait_indirect_dma semaphore(%run_scoped3A_66 : memref<!tpu.dma_semaphore, #tpu.memory_space<semaphore_mem>>) src(%arg9 : memref<128x128xf32, #tpu.memory_space<vmem>>) dst(%dma_wait3A_78 : memref<10240x128xf32, #tpu.memory_space<vmem_shared>>)
      tpu.yield
    }) : () -> ()
    %barrier3A_58 = arith.constant 0 : index
    tpu.barrier barrier_id(%barrier3A_58)
    %mul3A_59 = arith.constant 640 : i32
    %mul3A_60 = arith.muli %arg1, %mul3A_59 : i32
    %mul3A_61 = arith.constant 10240 : i32
    %mul3A_62 = arith.muli %arg0, %mul3A_61 : i32
    %mul3A_63 = arith.constant 640 : i32
    %mul3A_64 = arith.muli %arg1, %mul3A_63 : i32
    %add3A_65 = arith.addi %mul3A_62, %mul3A_64 : i32
    "tpu.region"() ({
      %run_scoped3A_66 = tpu.sem_alloc : memref<!tpu.dma_semaphore, #tpu.memory_space<semaphore_mem>>
      %dma_start3A_67 = arith.constant 0 : i32
      %dma_start3A_68 = tpu.memref_slice %arg5[%add3A_65, %dma_start3A_67] : memref<20480x128xf32, #tpu.memory_space<hbm>> -> memref<640x128xf32, #tpu.memory_space<hbm>>
      %dma_start3A_69 = arith.constant 0 : i32
      %dma_start3A_70 = tpu.memref_slice %arg14[%mul3A_60, %dma_start3A_69] : memref<10240x128xf32, #tpu.memory_space<vmem_shared>> -> memref<640x128xf32, #tpu.memory_space<vmem_shared>>
      tpu.enqueue_dma source(%dma_start3A_70 : memref<640x128xf32, #tpu.memory_space<vmem_shared>>) target(%dma_start3A_68 : memref<640x128xf32, #tpu.memory_space<hbm>>) target_semaphore(%run_scoped3A_66 : memref<!tpu.dma_semaphore, #tpu.memory_space<semaphore_mem>>)
      %dma_wait3A_71 = arith.constant 0 : i32
      %dma_wait3A_72 = tpu.memref_slice %arg5[%add3A_65, %dma_wait3A_71] : memref<20480x128xf32, #tpu.memory_space<hbm>> -> memref<640x128xf32, #tpu.memory_space<hbm>>
      %dma_wait3A_73 = arith.constant 0 : i32
      %dma_wait3A_74 = tpu.memref_slice %arg14[%mul3A_60, %dma_wait3A_73] : memref<10240x128xf32, #tpu.memory_space<vmem_shared>> -> memref<640x128xf32, #tpu.memory_space<vmem_shared>>
      tpu.wait_dma2 semaphore(%run_scoped3A_66 : memref<!tpu.dma_semaphore, #tpu.memory_space<semaphore_mem>>) src(%dma_wait3A_74 : memref<640x128xf32, #tpu.memory_space<vmem_shared>>) dst(%dma_wait3A_72 : memref<640x128xf32, #tpu.memory_space<hbm>>)
      tpu.yield
    }) : () -> ()
    return
  }
}

#map = affine_map<(d0, d1) -> (0, 0)>
#map1 = affine_map<(d0, d1) -> (0)>
module attributes {stable_mosaic.version = 14 : i64} {
  func.func @sc_deg(%arg0: i32, %arg1: i32, %arg2: memref<10240x128xf32, #tpu.memory_space<hbm>>, %arg3: memref<327680xi32, #tpu.memory_space<hbm>>, %arg4: memref<20480x128xf32, #tpu.memory_space<hbm>>, %arg5: memref<128x128xf32, #tpu.memory_space<vmem>>, %arg6: memref<128xi32, #tpu.memory_space<vmem>>, %arg7: memref<128xi32, #tpu.memory_space<vmem>>, %arg8: memref<!tpu.dma_semaphore, #tpu.memory_space<semaphore_mem>>, %arg9: memref<!tpu.dma_semaphore, #tpu.memory_space<semaphore_mem>>, %arg10: memref<10240x128xf32, #tpu.memory_space<vmem_shared>>) attributes {dimension_semantics = [#tpu.dimension_semantics<core_parallel>, #tpu.dimension_semantics<subcore_parallel>], iteration_bounds = array<i64: 2, 16>, scalar_prefetch = 0 : i64, scratch_operands = 6 : i64, tpu.core_type = #tpu.core_type<sc_vector_subcore>, window_params = [{transform_indices = #map}, {transform_indices = #map1}, {transform_indices = #map}]} {
    %mul3A = arith.constant 16 : i32
    %mul3A_0 = arith.muli %arg0, %mul3A : i32
    %add3A = arith.addi %mul3A_0, %arg1 : i32
    %mul3A_1 = arith.constant 10240 : i32
    %mul3A_2 = arith.muli %add3A, %mul3A_1 : i32
    %broadcast_in_dim3A = arith.constant 0.000000e+00 : f32
    %broadcast_in_dim3A_3 = vector.broadcast %broadcast_in_dim3A : f32 to vector<16xf32>
    %iota3A = tpu.iota {dimensions = array<i32: 0>} : vector<16xi32>
    %eq3A = arith.constant 0 : i32
    %eq3A_4 = vector.broadcast %eq3A : i32 to vector<16xi32>
    %eq3A_5 = arith.cmpi eq, %iota3A, %eq3A_4 : vector<16xi32>
    %jit3A = arith.constant 1.000000e+00 : f32
    %jit3A_6 = arith.constant 0.000000e+00 : f32
    %broadcast_in_dim3A_7 = vector.broadcast %jit3A : f32 to vector<16xf32>
    %broadcast_in_dim3A_8 = vector.broadcast %jit3A_6 : f32 to vector<16xf32>
    %select_n3A = arith.select %eq3A_5, %broadcast_in_dim3A_7, %broadcast_in_dim3A_8 : vector<16xi1>, vector<16xf32>
    %scan3A = arith.constant 0 : i32
    %scan3A_9 = arith.constant 128 : i32
    %scan3A_10 = arith.addi %scan3A, %scan3A_9 : i32
    %scan3A_11 = arith.constant 1 : i32
    scf.for %scan3A_42 = %scan3A to %scan3A_10 step %scan3A_11  : i32 {
      %mul3A_43 = arith.constant 1 : i32
      %mul3A_44 = arith.muli %scan3A_42, %mul3A_43 : i32
      %add3A_45 = arith.constant 0 : i32
      %add3A_46 = arith.addi %add3A_45, %mul3A_44 : i32
      %swap3A = arith.index_cast %add3A_46 : i32 to index
      %swap3A_47 = arith.constant 0 : index
      %swap3A_48 = tpu.vector_load %arg5[%swap3A, %swap3A_47] {strides = array<i32>} : memref<128x128xf32, #tpu.memory_space<vmem>>, vector<1x16xf32>,
      %swap3A_49 = vector.shape_cast %swap3A_48 : vector<1x16xf32> to vector<16xf32>
      %swap3A_50 = vector.shape_cast %select_n3A : vector<16xf32> to vector<1x16xf32>
      tpu.vector_store %arg5[%swap3A, %swap3A_47], %swap3A_50 {strides = array<i32>} : memref<128x128xf32, #tpu.memory_space<vmem>>, vector<1x16xf32>,
      %swap3A_51 = arith.index_cast %add3A_46 : i32 to index
      %swap3A_52 = arith.constant 16 : index
      %swap3A_53 = tpu.vector_load %arg5[%swap3A_51, %swap3A_52] {strides = array<i32>} : memref<128x128xf32, #tpu.memory_space<vmem>>, vector<1x16xf32>,
      %swap3A_54 = vector.shape_cast %swap3A_53 : vector<1x16xf32> to vector<16xf32>
      %swap3A_55 = vector.shape_cast %broadcast_in_dim3A_3 : vector<16xf32> to vector<1x16xf32>
      tpu.vector_store %arg5[%swap3A_51, %swap3A_52], %swap3A_55 {strides = array<i32>} : memref<128x128xf32, #tpu.memory_space<vmem>>, vector<1x16xf32>,
      %swap3A_56 = arith.index_cast %add3A_46 : i32 to index
      %swap3A_57 = arith.constant 32 : index
      %swap3A_58 = tpu.vector_load %arg5[%swap3A_56, %swap3A_57] {strides = array<i32>} : memref<128x128xf32, #tpu.memory_space<vmem>>, vector<1x16xf32>,
      %swap3A_59 = vector.shape_cast %swap3A_58 : vector<1x16xf32> to vector<16xf32>
      %swap3A_60 = vector.shape_cast %broadcast_in_dim3A_3 : vector<16xf32> to vector<1x16xf32>
      tpu.vector_store %arg5[%swap3A_56, %swap3A_57], %swap3A_60 {strides = array<i32>} : memref<128x128xf32, #tpu.memory_space<vmem>>, vector<1x16xf32>,
      %swap3A_61 = arith.index_cast %add3A_46 : i32 to index
      %swap3A_62 = arith.constant 48 : index
      %swap3A_63 = tpu.vector_load %arg5[%swap3A_61, %swap3A_62] {strides = array<i32>} : memref<128x128xf32, #tpu.memory_space<vmem>>, vector<1x16xf32>,
      %swap3A_64 = vector.shape_cast %swap3A_63 : vector<1x16xf32> to vector<16xf32>
      %swap3A_65 = vector.shape_cast %broadcast_in_dim3A_3 : vector<16xf32> to vector<1x16xf32>
      tpu.vector_store %arg5[%swap3A_61, %swap3A_62], %swap3A_65 {strides = array<i32>} : memref<128x128xf32, #tpu.memory_space<vmem>>, vector<1x16xf32>,
      %swap3A_66 = arith.index_cast %add3A_46 : i32 to index
      %swap3A_67 = arith.constant 64 : index
      %swap3A_68 = tpu.vector_load %arg5[%swap3A_66, %swap3A_67] {strides = array<i32>} : memref<128x128xf32, #tpu.memory_space<vmem>>, vector<1x16xf32>,
      %swap3A_69 = vector.shape_cast %swap3A_68 : vector<1x16xf32> to vector<16xf32>
      %swap3A_70 = vector.shape_cast %broadcast_in_dim3A_3 : vector<16xf32> to vector<1x16xf32>
      tpu.vector_store %arg5[%swap3A_66, %swap3A_67], %swap3A_70 {strides = array<i32>} : memref<128x128xf32, #tpu.memory_space<vmem>>, vector<1x16xf32>,
      %swap3A_71 = arith.index_cast %add3A_46 : i32 to index
      %swap3A_72 = arith.constant 80 : index
      %swap3A_73 = tpu.vector_load %arg5[%swap3A_71, %swap3A_72] {strides = array<i32>} : memref<128x128xf32, #tpu.memory_space<vmem>>, vector<1x16xf32>,
      %swap3A_74 = vector.shape_cast %swap3A_73 : vector<1x16xf32> to vector<16xf32>
      %swap3A_75 = vector.shape_cast %broadcast_in_dim3A_3 : vector<16xf32> to vector<1x16xf32>
      tpu.vector_store %arg5[%swap3A_71, %swap3A_72], %swap3A_75 {strides = array<i32>} : memref<128x128xf32, #tpu.memory_space<vmem>>, vector<1x16xf32>,
      %swap3A_76 = arith.index_cast %add3A_46 : i32 to index
      %swap3A_77 = arith.constant 96 : index
      %swap3A_78 = tpu.vector_load %arg5[%swap3A_76, %swap3A_77] {strides = array<i32>} : memref<128x128xf32, #tpu.memory_space<vmem>>, vector<1x16xf32>,
      %swap3A_79 = vector.shape_cast %swap3A_78 : vector<1x16xf32> to vector<16xf32>
      %swap3A_80 = vector.shape_cast %broadcast_in_dim3A_3 : vector<16xf32> to vector<1x16xf32>
      tpu.vector_store %arg5[%swap3A_76, %swap3A_77], %swap3A_80 {strides = array<i32>} : memref<128x128xf32, #tpu.memory_space<vmem>>, vector<1x16xf32>,
      %swap3A_81 = arith.index_cast %add3A_46 : i32 to index
      %swap3A_82 = arith.constant 112 : index
      %swap3A_83 = tpu.vector_load %arg5[%swap3A_81, %swap3A_82] {strides = array<i32>} : memref<128x128xf32, #tpu.memory_space<vmem>>, vector<1x16xf32>,
      %swap3A_84 = vector.shape_cast %swap3A_83 : vector<1x16xf32> to vector<16xf32>
      %swap3A_85 = vector.shape_cast %broadcast_in_dim3A_3 : vector<16xf32> to vector<1x16xf32>
      tpu.vector_store %arg5[%swap3A_81, %swap3A_82], %swap3A_85 {strides = array<i32>} : memref<128x128xf32, #tpu.memory_space<vmem>>, vector<1x16xf32>,
    }
    %scan3A_12 = arith.constant 128 : i32
    %mul3A_13 = arith.constant 640 : i32
    %mul3A_14 = arith.muli %arg1, %mul3A_13 : i32
    %mul3A_15 = arith.constant 640 : i32
    %mul3A_16 = arith.muli %arg1, %mul3A_15 : i32
    "tpu.region"() ({
      %run_scoped3A = tpu.sem_alloc : memref<!tpu.dma_semaphore, #tpu.memory_space<semaphore_mem>>
      %dma_start3A_42 = arith.constant 0 : i32
      %dma_start3A_43 = tpu.memref_slice %arg10[%mul3A_16, %dma_start3A_42] : memref<10240x128xf32, #tpu.memory_space<vmem_shared>> -> memref<640x128xf32, #tpu.memory_space<vmem_shared>>
      %dma_start3A_44 = arith.constant 0 : i32
      %dma_start3A_45 = tpu.memref_slice %arg2[%mul3A_14, %dma_start3A_44] : memref<10240x128xf32, #tpu.memory_space<hbm>> -> memref<640x128xf32, #tpu.memory_space<hbm>>
      tpu.enqueue_dma source(%dma_start3A_45 : memref<640x128xf32, #tpu.memory_space<hbm>>) target(%dma_start3A_43 : memref<640x128xf32, #tpu.memory_space<vmem_shared>>) target_semaphore(%run_scoped3A : memref<!tpu.dma_semaphore, #tpu.memory_space<semaphore_mem>>)
      %dma_wait3A_46 = arith.constant 0 : i32
      %dma_wait3A_47 = tpu.memref_slice %arg10[%mul3A_16, %dma_wait3A_46] : memref<10240x128xf32, #tpu.memory_space<vmem_shared>> -> memref<640x128xf32, #tpu.memory_space<vmem_shared>>
      %dma_wait3A_48 = arith.constant 0 : i32
      %dma_wait3A_49 = tpu.memref_slice %arg2[%mul3A_14, %dma_wait3A_48] : memref<10240x128xf32, #tpu.memory_space<hbm>> -> memref<640x128xf32, #tpu.memory_space<hbm>>
      tpu.wait_dma2 semaphore(%run_scoped3A : memref<!tpu.dma_semaphore, #tpu.memory_space<semaphore_mem>>) src(%dma_wait3A_49 : memref<640x128xf32, #tpu.memory_space<hbm>>) dst(%dma_wait3A_47 : memref<640x128xf32, #tpu.memory_space<vmem_shared>>)
      tpu.yield
    }) : () -> ()
    %barrier3A = arith.constant 0 : index
    tpu.barrier barrier_id(%barrier3A)
    %dma_start3A = tpu.memref_slice %arg3[%mul3A_2] : memref<327680xi32, #tpu.memory_space<hbm>> -> memref<128xi32, #tpu.memory_space<hbm>>
    %dma_start3A_17 = tpu.memref_slice %arg3[%mul3A_2] : memref<327680xi32, #tpu.memory_space<hbm>> -> memref<128xi32, #tpu.memory_space<hbm>>
    tpu.enqueue_dma source(%dma_start3A_17 : memref<128xi32, #tpu.memory_space<hbm>>) target(%arg6 : memref<128xi32, #tpu.memory_space<vmem>>) target_semaphore(%arg8 : memref<!tpu.dma_semaphore, #tpu.memory_space<semaphore_mem>>)
    %scan3A_18 = arith.constant 0 : i32
    %scan3A_19 = arith.constant 39 : i32
    %scan3A_20 = arith.addi %scan3A_18, %scan3A_19 : i32
    %scan3A_21 = arith.constant 1 : i32
    scf.for %scan3A_42 = %scan3A_18 to %scan3A_20 step %scan3A_21  : i32 {
      %mul3A_43 = arith.constant 1 : i32
      %mul3A_44 = arith.muli %scan3A_42, %mul3A_43 : i32
      %add3A_45 = arith.constant 0 : i32
      %add3A_46 = arith.addi %add3A_45, %mul3A_44 : i32
      %mul3A_47 = arith.constant 2 : i32
      %mul3A_48 = arith.muli %mul3A_47, %add3A_46 : i32
      %add3A_49 = arith.constant 1 : i32
      %add3A_50 = arith.addi %mul3A_48, %add3A_49 : i32
      %mul3A_51 = arith.constant 128 : i32
      %mul3A_52 = arith.muli %add3A_50, %mul3A_51 : i32
      %add3A_53 = arith.addi %mul3A_2, %mul3A_52 : i32
      %dma_start3A_54 = tpu.memref_slice %arg3[%add3A_53] : memref<327680xi32, #tpu.memory_space<hbm>> -> memref<128xi32, #tpu.memory_space<hbm>>
      %dma_start3A_55 = tpu.memref_slice %arg3[%add3A_53] : memref<327680xi32, #tpu.memory_space<hbm>> -> memref<128xi32, #tpu.memory_space<hbm>>
      tpu.enqueue_dma source(%dma_start3A_55 : memref<128xi32, #tpu.memory_space<hbm>>) target(%arg7 : memref<128xi32, #tpu.memory_space<vmem>>) target_semaphore(%arg9 : memref<!tpu.dma_semaphore, #tpu.memory_space<semaphore_mem>>)
      %dma_wait3A_56 = arith.constant 0 : i32
      %dma_wait3A_57 = tpu.memref_slice %arg3[%dma_wait3A_56] : memref<327680xi32, #tpu.memory_space<hbm>> -> memref<128xi32, #tpu.memory_space<hbm>>
      %dma_wait3A_58 = arith.constant 0 : i32
      %dma_wait3A_59 = tpu.memref_slice %arg3[%dma_wait3A_58] : memref<327680xi32, #tpu.memory_space<hbm>> -> memref<128xi32, #tpu.memory_space<hbm>>
      tpu.wait_dma2 semaphore(%arg8 : memref<!tpu.dma_semaphore, #tpu.memory_space<semaphore_mem>>) src(%dma_wait3A_59 : memref<128xi32, #tpu.memory_space<hbm>>) dst(%arg6 : memref<128xi32, #tpu.memory_space<vmem>>)
      "tpu.region"() ({
        %run_scoped3A = tpu.sem_alloc : memref<!tpu.dma_semaphore, #tpu.memory_space<semaphore_mem>>
        %dma_start3A_73 = arith.constant 0 : i32
        %dma_start3A_74 = arith.constant 0 : i32
        %dma_start3A_75 = tpu.memref_slice %arg10[%dma_start3A_73, %dma_start3A_74] : memref<10240x128xf32, #tpu.memory_space<vmem_shared>> -> memref<10240x128xf32, #tpu.memory_space<vmem_shared>>
        tpu.enqueue_indirect_dma source(%arg5 : memref<128x128xf32, #tpu.memory_space<vmem>>) target(%dma_start3A_75 : memref<10240x128xf32, #tpu.memory_space<vmem_shared>>) offsets(%arg6 : memref<128xi32, #tpu.memory_space<vmem>>) semaphore(%run_scoped3A : memref<!tpu.dma_semaphore, #tpu.memory_space<semaphore_mem>>) {add = true}
        %dma_wait3A_76 = arith.constant 0 : i32
        %dma_wait3A_77 = arith.constant 0 : i32
        %dma_wait3A_78 = tpu.memref_slice %arg10[%dma_wait3A_76, %dma_wait3A_77] : memref<10240x128xf32, #tpu.memory_space<vmem_shared>> -> memref<10240x128xf32, #tpu.memory_space<vmem_shared>>
        tpu.wait_indirect_dma semaphore(%run_scoped3A : memref<!tpu.dma_semaphore, #tpu.memory_space<semaphore_mem>>) src(%arg5 : memref<128x128xf32, #tpu.memory_space<vmem>>) dst(%dma_wait3A_78 : memref<10240x128xf32, #tpu.memory_space<vmem_shared>>)
        tpu.yield
      }) : () -> ()
      %mul3A_60 = arith.constant 2 : i32
      %mul3A_61 = arith.muli %mul3A_60, %add3A_46 : i32
      %add3A_62 = arith.constant 2 : i32
      %add3A_63 = arith.addi %mul3A_61, %add3A_62 : i32
      %mul3A_64 = arith.constant 128 : i32
      %mul3A_65 = arith.muli %add3A_63, %mul3A_64 : i32
      %add3A_66 = arith.addi %mul3A_2, %mul3A_65 : i32
      %dma_start3A_67 = tpu.memref_slice %arg3[%add3A_66] : memref<327680xi32, #tpu.memory_space<hbm>> -> memref<128xi32, #tpu.memory_space<hbm>>
      %dma_start3A_68 = tpu.memref_slice %arg3[%add3A_66] : memref<327680xi32, #tpu.memory_space<hbm>> -> memref<128xi32, #tpu.memory_space<hbm>>
      tpu.enqueue_dma source(%dma_start3A_68 : memref<128xi32, #tpu.memory_space<hbm>>) target(%arg6 : memref<128xi32, #tpu.memory_space<vmem>>) target_semaphore(%arg8 : memref<!tpu.dma_semaphore, #tpu.memory_space<semaphore_mem>>)
      %dma_wait3A_69 = arith.constant 0 : i32
      %dma_wait3A_70 = tpu.memref_slice %arg3[%dma_wait3A_69] : memref<327680xi32, #tpu.memory_space<hbm>> -> memref<128xi32, #tpu.memory_space<hbm>>
      %dma_wait3A_71 = arith.constant 0 : i32
      %dma_wait3A_72 = tpu.memref_slice %arg3[%dma_wait3A_71] : memref<327680xi32, #tpu.memory_space<hbm>> -> memref<128xi32, #tpu.memory_space<hbm>>
      tpu.wait_dma2 semaphore(%arg9 : memref<!tpu.dma_semaphore, #tpu.memory_space<semaphore_mem>>) src(%dma_wait3A_72 : memref<128xi32, #tpu.memory_space<hbm>>) dst(%arg7 : memref<128xi32, #tpu.memory_space<vmem>>)
      "tpu.region"() ({
        %run_scoped3A = tpu.sem_alloc : memref<!tpu.dma_semaphore, #tpu.memory_space<semaphore_mem>>
        %dma_start3A_73 = arith.constant 0 : i32
        %dma_start3A_74 = arith.constant 0 : i32
        %dma_start3A_75 = tpu.memref_slice %arg10[%dma_start3A_73, %dma_start3A_74] : memref<10240x128xf32, #tpu.memory_space<vmem_shared>> -> memref<10240x128xf32, #tpu.memory_space<vmem_shared>>
        tpu.enqueue_indirect_dma source(%arg5 : memref<128x128xf32, #tpu.memory_space<vmem>>) target(%dma_start3A_75 : memref<10240x128xf32, #tpu.memory_space<vmem_shared>>) offsets(%arg7 : memref<128xi32, #tpu.memory_space<vmem>>) semaphore(%run_scoped3A : memref<!tpu.dma_semaphore, #tpu.memory_space<semaphore_mem>>) {add = true}
        %dma_wait3A_76 = arith.constant 0 : i32
        %dma_wait3A_77 = arith.constant 0 : i32
        %dma_wait3A_78 = tpu.memref_slice %arg10[%dma_wait3A_76, %dma_wait3A_77] : memref<10240x128xf32, #tpu.memory_space<vmem_shared>> -> memref<10240x128xf32, #tpu.memory_space<vmem_shared>>
        tpu.wait_indirect_dma semaphore(%run_scoped3A : memref<!tpu.dma_semaphore, #tpu.memory_space<semaphore_mem>>) src(%arg5 : memref<128x128xf32, #tpu.memory_space<vmem>>) dst(%dma_wait3A_78 : memref<10240x128xf32, #tpu.memory_space<vmem_shared>>)
        tpu.yield
      }) : () -> ()
    }
    %scan3A_22 = arith.constant 39 : i32
    %add3A_23 = arith.constant 10112 : i32
    %add3A_24 = arith.addi %mul3A_2, %add3A_23 : i32
    %dma_start3A_25 = tpu.memref_slice %arg3[%add3A_24] : memref<327680xi32, #tpu.memory_space<hbm>> -> memref<128xi32, #tpu.memory_space<hbm>>
    %dma_start3A_26 = tpu.memref_slice %arg3[%add3A_24] : memref<327680xi32, #tpu.memory_space<hbm>> -> memref<128xi32, #tpu.memory_space<hbm>>
    tpu.enqueue_dma source(%dma_start3A_26 : memref<128xi32, #tpu.memory_space<hbm>>) target(%arg7 : memref<128xi32, #tpu.memory_space<vmem>>) target_semaphore(%arg9 : memref<!tpu.dma_semaphore, #tpu.memory_space<semaphore_mem>>)
    %dma_wait3A = arith.constant 0 : i32
    %dma_wait3A_27 = tpu.memref_slice %arg3[%dma_wait3A] : memref<327680xi32, #tpu.memory_space<hbm>> -> memref<128xi32, #tpu.memory_space<hbm>>
    %dma_wait3A_28 = arith.constant 0 : i32
    %dma_wait3A_29 = tpu.memref_slice %arg3[%dma_wait3A_28] : memref<327680xi32, #tpu.memory_space<hbm>> -> memref<128xi32, #tpu.memory_space<hbm>>
    tpu.wait_dma2 semaphore(%arg8 : memref<!tpu.dma_semaphore, #tpu.memory_space<semaphore_mem>>) src(%dma_wait3A_29 : memref<128xi32, #tpu.memory_space<hbm>>) dst(%arg6 : memref<128xi32, #tpu.memory_space<vmem>>)
    "tpu.region"() ({
      %run_scoped3A = tpu.sem_alloc : memref<!tpu.dma_semaphore, #tpu.memory_space<semaphore_mem>>
      %dma_start3A_42 = arith.constant 0 : i32
      %dma_start3A_43 = arith.constant 0 : i32
      %dma_start3A_44 = tpu.memref_slice %arg10[%dma_start3A_42, %dma_start3A_43] : memref<10240x128xf32, #tpu.memory_space<vmem_shared>> -> memref<10240x128xf32, #tpu.memory_space<vmem_shared>>
      tpu.enqueue_indirect_dma source(%arg5 : memref<128x128xf32, #tpu.memory_space<vmem>>) target(%dma_start3A_44 : memref<10240x128xf32, #tpu.memory_space<vmem_shared>>) offsets(%arg6 : memref<128xi32, #tpu.memory_space<vmem>>) semaphore(%run_scoped3A : memref<!tpu.dma_semaphore, #tpu.memory_space<semaphore_mem>>) {add = true}
      %dma_wait3A_45 = arith.constant 0 : i32
      %dma_wait3A_46 = arith.constant 0 : i32
      %dma_wait3A_47 = tpu.memref_slice %arg10[%dma_wait3A_45, %dma_wait3A_46] : memref<10240x128xf32, #tpu.memory_space<vmem_shared>> -> memref<10240x128xf32, #tpu.memory_space<vmem_shared>>
      tpu.wait_indirect_dma semaphore(%run_scoped3A : memref<!tpu.dma_semaphore, #tpu.memory_space<semaphore_mem>>) src(%arg5 : memref<128x128xf32, #tpu.memory_space<vmem>>) dst(%dma_wait3A_47 : memref<10240x128xf32, #tpu.memory_space<vmem_shared>>)
      tpu.yield
    }) : () -> ()
    %dma_wait3A_30 = arith.constant 0 : i32
    %dma_wait3A_31 = tpu.memref_slice %arg3[%dma_wait3A_30] : memref<327680xi32, #tpu.memory_space<hbm>> -> memref<128xi32, #tpu.memory_space<hbm>>
    %dma_wait3A_32 = arith.constant 0 : i32
    %dma_wait3A_33 = tpu.memref_slice %arg3[%dma_wait3A_32] : memref<327680xi32, #tpu.memory_space<hbm>> -> memref<128xi32, #tpu.memory_space<hbm>>
    tpu.wait_dma2 semaphore(%arg9 : memref<!tpu.dma_semaphore, #tpu.memory_space<semaphore_mem>>) src(%dma_wait3A_33 : memref<128xi32, #tpu.memory_space<hbm>>) dst(%arg7 : memref<128xi32, #tpu.memory_space<vmem>>)
    "tpu.region"() ({
      %run_scoped3A = tpu.sem_alloc : memref<!tpu.dma_semaphore, #tpu.memory_space<semaphore_mem>>
      %dma_start3A_42 = arith.constant 0 : i32
      %dma_start3A_43 = arith.constant 0 : i32
      %dma_start3A_44 = tpu.memref_slice %arg10[%dma_start3A_42, %dma_start3A_43] : memref<10240x128xf32, #tpu.memory_space<vmem_shared>> -> memref<10240x128xf32, #tpu.memory_space<vmem_shared>>
      tpu.enqueue_indirect_dma source(%arg5 : memref<128x128xf32, #tpu.memory_space<vmem>>) target(%dma_start3A_44 : memref<10240x128xf32, #tpu.memory_space<vmem_shared>>) offsets(%arg7 : memref<128xi32, #tpu.memory_space<vmem>>) semaphore(%run_scoped3A : memref<!tpu.dma_semaphore, #tpu.memory_space<semaphore_mem>>) {add = true}
      %dma_wait3A_45 = arith.constant 0 : i32
      %dma_wait3A_46 = arith.constant 0 : i32
      %dma_wait3A_47 = tpu.memref_slice %arg10[%dma_wait3A_45, %dma_wait3A_46] : memref<10240x128xf32, #tpu.memory_space<vmem_shared>> -> memref<10240x128xf32, #tpu.memory_space<vmem_shared>>
      tpu.wait_indirect_dma semaphore(%run_scoped3A : memref<!tpu.dma_semaphore, #tpu.memory_space<semaphore_mem>>) src(%arg5 : memref<128x128xf32, #tpu.memory_space<vmem>>) dst(%dma_wait3A_47 : memref<10240x128xf32, #tpu.memory_space<vmem_shared>>)
      tpu.yield
    }) : () -> ()
    %barrier3A_34 = arith.constant 0 : index
    tpu.barrier barrier_id(%barrier3A_34)
    %mul3A_35 = arith.constant 640 : i32
    %mul3A_36 = arith.muli %arg1, %mul3A_35 : i32
    %mul3A_37 = arith.constant 10240 : i32
    %mul3A_38 = arith.muli %arg0, %mul3A_37 : i32
    %mul3A_39 = arith.constant 640 : i32
    %mul3A_40 = arith.muli %arg1, %mul3A_39 : i32
    %add3A_41 = arith.addi %mul3A_38, %mul3A_40 : i32
    "tpu.region"() ({
      %run_scoped3A = tpu.sem_alloc : memref<!tpu.dma_semaphore, #tpu.memory_space<semaphore_mem>>
      %dma_start3A_42 = arith.constant 0 : i32
      %dma_start3A_43 = tpu.memref_slice %arg4[%add3A_41, %dma_start3A_42] : memref<20480x128xf32, #tpu.memory_space<hbm>> -> memref<640x128xf32, #tpu.memory_space<hbm>>
      %dma_start3A_44 = arith.constant 0 : i32
      %dma_start3A_45 = tpu.memref_slice %arg10[%mul3A_36, %dma_start3A_44] : memref<10240x128xf32, #tpu.memory_space<vmem_shared>> -> memref<640x128xf32, #tpu.memory_space<vmem_shared>>
      tpu.enqueue_dma source(%dma_start3A_45 : memref<640x128xf32, #tpu.memory_space<vmem_shared>>) target(%dma_start3A_43 : memref<640x128xf32, #tpu.memory_space<hbm>>) target_semaphore(%run_scoped3A : memref<!tpu.dma_semaphore, #tpu.memory_space<semaphore_mem>>)
      %dma_wait3A_46 = arith.constant 0 : i32
      %dma_wait3A_47 = tpu.memref_slice %arg4[%add3A_41, %dma_wait3A_46] : memref<20480x128xf32, #tpu.memory_space<hbm>> -> memref<640x128xf32, #tpu.memory_space<hbm>>
      %dma_wait3A_48 = arith.constant 0 : i32
      %dma_wait3A_49 = tpu.memref_slice %arg10[%mul3A_36, %dma_wait3A_48] : memref<10240x128xf32, #tpu.memory_space<vmem_shared>> -> memref<640x128xf32, #tpu.memory_space<vmem_shared>>
      tpu.wait_dma2 semaphore(%run_scoped3A : memref<!tpu.dma_semaphore, #tpu.memory_space<semaphore_mem>>) src(%dma_wait3A_49 : memref<640x128xf32, #tpu.memory_space<vmem_shared>>) dst(%dma_wait3A_47 : memref<640x128xf32, #tpu.memory_space<hbm>>)
      tpu.yield
    }) : () -> ()
    return
  }
}

module attributes {stable_mosaic.version = 14 : i64} {
  func.func @_tc_matmul_body(%arg0: i32, %arg1: memref<256x128xf32, #tpu.memory_space<vmem>>, %arg2: memref<256x128xf32, #tpu.memory_space<vmem>>, %arg3: memref<128x128xf32, #tpu.memory_space<vmem>>, %arg4: memref<256x128xf32, #tpu.memory_space<vmem>>) attributes {dimension_semantics = [#tpu.dimension_semantics<arbitrary>], iteration_bounds = array<i64: 40>, scalar_prefetch = 0 : i64, scratch_operands = 0 : i64, tpu.core_type = #tpu.core_type<tc>, window_params = [{transform_indices = @transform_0, window_bounds = array<i64: 256, 128>}, {transform_indices = @transform_1, window_bounds = array<i64: 256, 128>}, {pipeline_mode = #tpu.pipeline_mode<synchronous>, transform_indices = @transform_2, window_bounds = array<i64: 128, 128>}, {transform_indices = @transform_3, window_bounds = array<i64: 256, 128>}]} {
    %get3A = arith.constant 0 : index
    %get3A_0 = arith.constant 0 : index
    %get3A_1 = vector.load %arg1[%get3A, %get3A_0] : memref<256x128xf32, #tpu.memory_space<vmem>>, vector<256x128xf32>
    %get3A_2 = arith.constant 0 : index
    %get3A_3 = arith.constant 0 : index
    %get3A_4 = vector.load %arg2[%get3A_2, %get3A_3] : memref<256x128xf32, #tpu.memory_space<vmem>>, vector<256x128xf32>
    %add3A = arith.addf %get3A_1, %get3A_4 : vector<256x128xf32>
    %get3A_5 = arith.constant 0 : index
    %get3A_6 = arith.constant 0 : index
    %get3A_7 = vector.load %arg3[%get3A_5, %get3A_6] : memref<128x128xf32, #tpu.memory_space<vmem>>, vector<128x128xf32>
    %dot_general3A = arith.constant dense<0.000000e+00> : vector<256x128xf32>
    %dot_general3A_8 = tpu.matmul %add3A, %get3A_7, %dot_general3A {dimension_numbers = #tpu.dot_dimension_numbers<[1], [0], [0], [1], [0, 0, 1, 1], [], []>, transpose_lhs_hint = false} : vector<256x128xf32>, vector<128x128xf32>, vector<256x128xf32> -> vector<256x128xf32>
    %swap3A = arith.constant 0 : index
    %swap3A_9 = arith.constant 0 : index
    %swap3A_10 = vector.load %arg4[%swap3A, %swap3A_9] : memref<256x128xf32, #tpu.memory_space<vmem>>, vector<256x128xf32>
    tpu.vector_store %arg4[%swap3A, %swap3A_9], %dot_general3A_8 {strides = array<i32>} : memref<256x128xf32, #tpu.memory_space<vmem>>, vector<256x128xf32>,
    return
  }
  func.func @transform_0(%arg0: i32) -> (i32, i32) {
    %c0_i32 = arith.constant 0 : i32
    %c0_i32_0 = arith.constant 0 : i32
    return %arg0, %c0_i32 : i32, i32
  }
  func.func @transform_1(%arg0: i32) -> (i32, i32) {
    %add3A = arith.constant 40 : i32
    %add3A_0 = arith.addi %arg0, %add3A : i32
    %c0_i32 = arith.constant 0 : i32
    %c0_i32_1 = arith.constant 0 : i32
    return %add3A_0, %c0_i32 : i32, i32
  }
  func.func @transform_2(%arg0: i32) -> (i32, i32) {
    %c0_i32 = arith.constant 0 : i32
    %c0_i32_0 = arith.constant 0 : i32
    %c0_i32_1 = arith.constant 0 : i32
    return %c0_i32, %c0_i32_0 : i32, i32
  }
  func.func @transform_3(%arg0: i32) -> (i32, i32) {
    %c0_i32 = arith.constant 0 : i32
    %c0_i32_0 = arith.constant 0 : i32
    return %arg0, %c0_i32 : i32, i32
  }
}

module attributes {stable_mosaic.version = 14 : i64} {
  func.func @_tc_finish_body(%arg0: i32, %arg1: memref<256x128xf32, #tpu.memory_space<vmem>>, %arg2: memref<256x128xf32, #tpu.memory_space<vmem>>, %arg3: memref<256x128xf32, #tpu.memory_space<vmem>>, %arg4: memref<1x128xf32, #tpu.memory_space<vmem>>, %arg5: memref<256x128xf32, #tpu.memory_space<vmem>>) attributes {dimension_semantics = [#tpu.dimension_semantics<arbitrary>], iteration_bounds = array<i64: 40>, scalar_prefetch = 0 : i64, scratch_operands = 0 : i64, tpu.core_type = #tpu.core_type<tc>, window_params = [{transform_indices = @transform_0, window_bounds = array<i64: 256, 128>}, {transform_indices = @transform_1, window_bounds = array<i64: 256, 128>}, {transform_indices = @transform_2, window_bounds = array<i64: 256, 128>}, {pipeline_mode = #tpu.pipeline_mode<synchronous>, transform_indices = @transform_3, window_bounds = array<i64: 1, 128>}, {transform_indices = @transform_4, window_bounds = array<i64: 256, 128>}]} {
    %get3A = arith.constant 0 : index
    %get3A_0 = arith.constant 0 : index
    %get3A_1 = vector.load %arg2[%get3A, %get3A_0] : memref<256x128xf32, #tpu.memory_space<vmem>>, vector<256x1xf32>
    %get3A_2 = arith.constant 0 : index
    %get3A_3 = arith.constant 0 : index
    %get3A_4 = vector.load %arg3[%get3A_2, %get3A_3] : memref<256x128xf32, #tpu.memory_space<vmem>>, vector<256x1xf32>
    %add3A = arith.addf %get3A_1, %get3A_4 : vector<256x1xf32>
    %add3A_5 = arith.constant 1.000000e+00 : f32
    %add3A_6 = vector.broadcast %add3A_5 : f32 to vector<256x1xf32>
    %add3A_7 = arith.addf %add3A, %add3A_6 : vector<256x1xf32>
    %get3A_8 = arith.constant 0 : index
    %get3A_9 = arith.constant 0 : index
    %get3A_10 = vector.load %arg1[%get3A_8, %get3A_9] : memref<256x128xf32, #tpu.memory_space<vmem>>, vector<256x128xf32>
    %div3A = vector.broadcast %add3A_7 : vector<256x1xf32> to vector<256x128xf32>
    %div3A_11 = arith.divf %get3A_10, %div3A : vector<256x128xf32>
    %get3A_12 = arith.constant 0 : index
    %get3A_13 = arith.constant 0 : index
    %get3A_14 = vector.load %arg4[%get3A_12, %get3A_13] : memref<1x128xf32, #tpu.memory_space<vmem>>, vector<1x128xf32>
    %add3A_15 = vector.broadcast %get3A_14 : vector<1x128xf32> to vector<256x128xf32>
    %add3A_16 = arith.addf %div3A_11, %add3A_15 : vector<256x128xf32>
    %max3A = arith.constant 0.000000e+00 : f32
    %max3A_17 = vector.broadcast %max3A : f32 to vector<256x128xf32>
    %max3A_18 = arith.maximumf %add3A_16, %max3A_17 : vector<256x128xf32>
    %mul3A = arith.mulf %max3A_18, %max3A_18 : vector<256x128xf32>
    %reduce_sum3A = arith.constant dense<0.000000e+00> : vector<256xf32>
    %reduce_sum3A_19 = vector.multi_reduction <add>, %mul3A, %reduce_sum3A [1] : vector<256x128xf32> to vector<256xf32>
    %broadcast_in_dim3A = vector.shape_cast %reduce_sum3A_19 : vector<256xf32> to vector<256x1xf32>
    %sqrt3A = math.sqrt %broadcast_in_dim3A : vector<256x1xf32>
    %max3A_20 = arith.constant 9.99999996E-13 : f32
    %max3A_21 = vector.broadcast %max3A_20 : f32 to vector<256x1xf32>
    %max3A_22 = arith.maximumf %sqrt3A, %max3A_21 : vector<256x1xf32>
    %div3A_23 = vector.broadcast %max3A_22 : vector<256x1xf32> to vector<256x128xf32>
    %div3A_24 = arith.divf %max3A_18, %div3A_23 : vector<256x128xf32>
    %swap3A = arith.constant 0 : index
    %swap3A_25 = arith.constant 0 : index
    %swap3A_26 = vector.load %arg5[%swap3A, %swap3A_25] : memref<256x128xf32, #tpu.memory_space<vmem>>, vector<256x128xf32>
    tpu.vector_store %arg5[%swap3A, %swap3A_25], %div3A_24 {strides = array<i32>} : memref<256x128xf32, #tpu.memory_space<vmem>>, vector<256x128xf32>,
    return
  }
  func.func @transform_0(%arg0: i32) -> (i32, i32) {
    %c0_i32 = arith.constant 0 : i32
    %c0_i32_0 = arith.constant 0 : i32
    return %arg0, %c0_i32 : i32, i32
  }
  func.func @transform_1(%arg0: i32) -> (i32, i32) {
    %c0_i32 = arith.constant 0 : i32
    %c0_i32_0 = arith.constant 0 : i32
    return %arg0, %c0_i32 : i32, i32
  }
  func.func @transform_2(%arg0: i32) -> (i32, i32) {
    %add3A = arith.constant 40 : i32
    %add3A_0 = arith.addi %arg0, %add3A : i32
    %c0_i32 = arith.constant 0 : i32
    %c0_i32_1 = arith.constant 0 : i32
    return %add3A_0, %c0_i32 : i32, i32
  }
  func.func @transform_3(%arg0: i32) -> (i32, i32) {
    %c0_i32 = arith.constant 0 : i32
    %c0_i32_0 = arith.constant 0 : i32
    %c0_i32_1 = arith.constant 0 : i32
    return %c0_i32, %c0_i32_0 : i32, i32
  }
  func.func @transform_4(%arg0: i32) -> (i32, i32) {
    %c0_i32 = arith.constant 0 : i32
    %c0_i32_0 = arith.constant 0 : i32
    return %arg0, %c0_i32 : i32, i32
  }
}

</mosaic_0001>

<sc_bundles>
// kernel: sc_deg.3.cloned.1.call-start
scs
__scs_entry_jumppad:
0x0: {  	(pc) =	sbr.rel $0x88, $3  }
0x1: {  	(tag) =	ssettag $0x0;
	lr =	simm.s32 $0x1  }
0x2: {  	[smem:$0x3F9D] =	sst lr;
	_ =	strace $0xD0000000  }
0x3: {  	_ = 	snop  }
0x4: {  	_ = 	snop  }
0x5: {  	_ = 	snop  }
0x6: {  	_ = 	snop  }
0x7: {  	_ = 	snop  }
__scs_overlays_trampoline_lowered:
0x8: {  	[smem:$0x3FAC] =	sst s0  }
0x9: {  	[smem:$0x3FAD] =	sst s1  }
0xa: {  	[smem:$0x3FAE] =	sst s2  }
0xb: {  	[smem:$0x3FAF] =	sst s3  }
0xc: {  	[smem:$0x3FB0] =	sst s4  }
0xd: {  	[smem:$0x3FB1] =	sst s5  }
0xe: {  	[smem:$0x3FB2] =	sst s6  }
0xf: {  	[smem:$0x3FB3] =	sst s7  }
0x10: {  	[smem:$0x3FB4] =	sst s8  }
0x11: {  	[smem:$0x3FB5] =	sst s9;
	s0 =	simm.s32 @!p0 $0x0  }
0x12: {  	s1 =	sld [smem:$0x3F9B];
	s0 =	simm.s32 @p0 $0x1  }
0x13: {  	[smem:$0x3FB6] =	sst s0;
	s0 =	simm.s32 @!p1 $0x0  }
0x14: {  	s2 =	sld [smem:$0x3F9A];
	s0 =	simm.s32 @p1 $0x1  }
0x15: {  	[smem:$0x3FB7] =	sst s0;
	s0 =	simm.s32 @!p2 $0x0  }
0x16: {  	s3 =	sld [smem:$0x3FDB];
	s0 =	simm.s32 @p2 $0x1  }
0x17: {  	s4 =	simm.s32 $0x1BF5;
	[smem:$0x3FB9] =	sst s0  }
0x18: {  	s0 =	sld [smem:$0x3F9C];
	_ =	swait.ge [sflag:s4], $0x0  }
0x19: {  	s7 =	sld [smem:$0x3F9D]  }
0x1a: {  	s8 =	sadd.s32 $0xFFFFE003, lr  }
0x1b: {  	s9 =	sadd.s32 $0xFFFFFEF7, lr;
	s5 =	simm.s32 $0xFFFFFFFF;
	p2 =	slt.u32 s8, $0xFFFFF086  }
0x1c: {  	p1 =	slt.u32 s9, $0xF7A;
	s5 =	simm.s32 @!p2 $0x0  }
0x1d: {  	s5 =	simm.s32 @p1 $0x1;
	p0 =	seq.s32 s7, s2  }
0x1e: {  	s7 =	smul.u32 @!p0 $0xF7A, s2;
	p2 =	seq.s32 @!p0 s5, $0x0  }
0x1f: {  	s9 =	smul.u32 $0xF7A, s1;
	s8 =	simm.s32 @!p0 $0x1BF5;
	p2 =	por !p2, p0  }
0x20: {  	[sflag:s8] =	ssyncset.s32 @!p0 $0xFFFFF086;
	s6 =	sadd.s32 @!p0 s3, s7;
	s7 =	simm.s32 @!p0 $0x108  }
0x21: {  	s3 =	sadd.s32 s3, s9;
	s6 =	sadd.s32 @!p0 $0x88, s6;
	s7 =	simm.s32 @p2 $0x1082  }
0x22: {  	[simem:s7], [sflag:s8] =	dma.local @!p0 [hbm:s6], $0xF7A  }
0x23: {  	s9 =	sor.u32 $0xD0000000, s2;
	s6 =	simm.s32 $0x108;
	_ =	swait.ge @!p0 [sflag:s8], $0x0  }
0x24: {  	s3 =	sadd.s32 $0x88, s3;
	s6 =	simm.s32 @!p1 $0x1082;
	[sflag:s4] =	ssyncset.s32 $0xFFFFF086  }
0x25: {  	[simem:s6], [sflag:s4] =	dma.local [hbm:s3], $0xF7A  }
0x26: {  	[smem:$0x3F9D] =	sst s1;
	(tag) =	ssettag s2;
	_ =	strace s9  }
0x27: {  	s1 =	sld [smem:$0x3FAD]  }
0x28: {  	s2 =	sld [smem:$0x3FAE]  }
0x29: {  	s4 =	sld [smem:$0x3FB0]  }
0x2a: {  	p0 =	seq.s32 s5, $0x0;
	s5 =	sld [smem:$0x3FB1]  }
0x2b: {  	s6 =	sld [smem:$0x3FB2]  }
0x2c: {  	s7 =	sld [smem:$0x3FB3]  }
0x2d: {  	s3 =	simm.s32 $0x108;
	s8 =	sld [smem:$0x3FB4]  }
0x2e: {  	s3 =	simm.s32 @!p0 $0x1082;
	s9 =	sld [smem:$0x3FB5]  }
0x2f: {  	lr =	sadd.s32 s0, s3;
	s0 =	sld [smem:$0x3FAC]  }
0x30: {  	s3 =	sld [smem:$0x3FAF]  }
0x31: {  	[smem:$0x3FB8] =	sst s10  }
0x32: {  	s10 =	sld [smem:$0x3FB6];
	_ =	sdelay $0x3  }
0x33: {  	p0 =	seq.s32 s10, $0x1;
	s10 =	sld [smem:$0x3FB8];
	_ =	sdelay $0x3  }
0x34: {  	[smem:$0x3FB8] =	sst s10  }
0x35: {  	s10 =	sld [smem:$0x3FB7];
	_ =	sdelay $0x3  }
0x36: {  	p1 =	seq.s32 s10, $0x1;
	s10 =	sld [smem:$0x3FB8];
	_ =	sdelay $0x3  }
0x37: {  	[smem:$0x3FB8] =	sst s10  }
0x38: {  	s10 =	sld [smem:$0x3FB9]  }
0x39: {  	_ = 	snop;
	(pc) =	sbr.ind lr, $3  }
0x3a: {  	_ = 	snop  }
0x3b: {  	_ = 	snop  }
0x3c: {  	p2 =	seq.s32 s10, $0x1;
	s10 =	sld [smem:$0x3FB8]  }
0x3d: {  	_ =	shalt  }
0x3e: {  	_ =	shalt  }
0x3f: {  	_ =	shalt  }
0x40: {  	_ =	shalt  }
0x41: {  	_ =	shalt  }
0x42: {  	_ =	shalt  }
0x43: {  	_ =	shalt  }
0x44: {  	_ =	shalt  }
0x45: {  	_ =	shalt  }
0x46: {  	_ =	shalt  }
0x47: {  	_ =	shalt  }
0x48: {  	_ =	shalt  }
0x49: {  	_ =	shalt  }
0x4a: {  	_ =	shalt  }
0x4b: {  	_ =	shalt  }
0x4c: {  	_ =	shalt  }
0x4d: {  	_ =	shalt  }
0x4e: {  	_ =	shalt  }
0x4f: {  	_ =	shalt  }
0x50: {  	_ =	shalt  }
0x51: {  	_ =	shalt  }
0x52: {  	_ =	shalt  }
0x53: {  	_ =	shalt  }
0x54: {  	_ =	shalt  }
0x55: {  	_ =	shalt  }
0x56: {  	_ =	shalt  }
0x57: {  	_ =	shalt  }
0x58: {  	_ =	shalt  }
0x59: {  	_ =	shalt  }
0x5a: {  	_ =	shalt  }
0x5b: {  	_ =	shalt  }
0x5c: {  	_ =	shalt  }
0x5d: {  	_ =	shalt  }
0x5e: {  	_ =	shalt  }
0x5f: {  	_ =	shalt  }
0x60: {  	_ =	shalt  }
0x61: {  	_ =	shalt  }
0x62: {  	_ =	shalt  }
0x63: {  	_ =	shalt  }
0x64: {  	_ =	shalt  }
0x65: {  	_ =	shalt  }
0x66: {  	_ =	shalt  }
0x67: {  	_ =	shalt  }
0x68: {  	_ =	shalt  }
0x69: {  	_ =	shalt  }
0x6a: {  	_ =	shalt  }
0x6b: {  	_ =	shalt  }
0x6c: {  	_ =	shalt  }
0x6d: {  	_ =	shalt  }
0x6e: {  	_ =	shalt  }
0x6f: {  	_ =	shalt  }
0x70: {  	_ =	shalt  }
0x71: {  	_ =	shalt  }
0x72: {  	_ =	shalt  }
0x73: {  	_ =	shalt  }
0x74: {  	_ =	shalt  }
0x75: {  	_ =	shalt  }
0x76: {  	_ =	shalt  }
0x77: {  	_ =	shalt  }
0x78: {  	_ =	shalt  }
0x79: {  	_ =	shalt  }
0x7a: {  	_ =	shalt  }
0x7b: {  	_ =	shalt  }
0x7c: {  	_ =	shalt  }
0x7d: {  	_ =	shalt  }
0x7e: {  	_ =	shalt  }
0x7f: {  	_ =	shalt  }
0x80: {  	_ =	shalt  }
0x81: {  	_ =	shalt  }
0x82: {  	_ =	shalt  }
0x83: {  	_ =	shalt  }
0x84: {  	_ =	shalt  }
0x85: {  	_ =	shalt  }
0x86: {  	_ =	shalt  }
0x87: {  	_ =	shalt  }
.Lfunc_end0:
.L_simem_size_0:
called_computation.1_lowered:
.L_overlay_start_0:
0x88: {  	s2 =	sld [smem:$0x3FD9]  }
0x89: {  	s3 =	sld [smem:$0x3FFE];
	_ =	sdelay $0x1  }
0x8a: {  	s1 =	srdreg.scid  }
0x8b: {  	s0 =	sand.u32 $0x1, s1  }
0x8c: {  	s17 =	sshll.u32 s0, $0xA;
	s2 =	sadd.s32 s3, s2  }
0x8d: {  	s2 =	sadd.s32 s2, s17  }
0x8e: {  	[smem:$0x3FC4] =	sst s2  }
0x8f: {  	_ = 	snop  }
0x90: {  	(tm) =	ssettm $0x1  }
0x91: {  	s18 =	sld [smem:$0x3FFB];
	_ =	sdelay $0x3  }
0x92: {  	_ =	strace s18  }
0x93: {  	s2 =	sld [smem:$0x3FFC];
	_ =	sdelay $0x3  }
0x94: {  	_ =	strace s2  }
0x95: {  	s2 =	sld [smem:$0x3FFD];
	_ =	sdelay $0x3  }
0x96: {  	_ =	strace s2  }
0x97: {  	_ =	strace $0x8FFFFFFF  }
0x98: {  	s19 =	sld [smem:$0x3FDB];
	_ =	sdelay $0x1  }
0x99: {  	s20 =	simm.s32 $_scs_section_size  }
0x9a: {  	s4 =	simm.s32 $_size__tile_overlayer_lowered;
	s5 =	simm.s32 $_tile_overlayer_lowered  }
0x9b: {  	s6 =	simm.s32 $0x1BFF;
	s21 =	sshll.u32 s5, $0x1;
	s3 =	sadd.s32 s20, s19  }
0x9c: {  	s22 =	simm.s32 $0x0;
	s4 =	sshll.u32 s4, $0x1;
	s5 =	sadd.s32 s21, s3  }
0x9d: {  	[timem:s22], [sflag:s6] =	dma.local [hbm:s5], s4  }
0x9e: {  	_ =	swait.ge [sflag:s6], s4  }
0x9f: {  	s4 =	ssub.s32 $0x0, s4;
	[sflag:s6] =	ssyncset.done $0x0  }
0xa0: {  	[sflag:s6] =	ssyncadd.s32 s4;
	_ =	sdelay $0x1  }
0xa1: {  	s23 =	simm.s32 $0x1B8B  }
0xa2: {  	_ =	swait.ge [sflag:s23], $0x1  }
0xa3: {  	[sflag:s23] =	ssyncset.done $0x0  }
0xa4: {  	[sflag:s23] =	ssyncadd.s32 $0xFFFFFFFF  }
0xa5: {  	s4 =	sld [smem:$0x0]  }
0xa6: {  	s5 =	sand.u32 $0xFFFFFFFE, s1  }
0xa7: {  	p0 =	sne.s32 s1, s5  }
0xa8: {  	s5 =	sshll.u32 @p0 s5, $0xE  }
0xa9: {  	s5 =	sadd.s32 @p0 $0x11B8D, s5;
	s6 =	sshll.u32 @p0 s4, $0x11  }
0xaa: {  	s5 =	sor.u32 @p0 s6, s5  }
0xab: {  	[sflag:s5] =	ssyncadd.remote.s32 @p0 $0x1;
	_ =	sdelay $0x1  }
0xac: {  	s5 =	simm.s32 @p0 $0x1B8D  }
0xad: {  	_ =	swait.eq @p0 [sflag:s5], $0x1  }
0xae: {  	[sflag:s5] =	ssyncadd.s32 @p0 $0xFFFFFFFF  }
0xaf: {  	s6 =	sshll.u32 @!p0 s1, $0xE  }
0xb0: {  	s6 =	sor.u32 @!p0 $0x4000, s6;
	s5 =	simm.s32 @!p0 $0x1B8D  }
0xb1: {  	s4 =	sshll.u32 @!p0 s4, $0x11;
	s6 =	sadd.s32 @!p0 $0x11B8D, s6;
	_ =	swait.eq @!p0 [sflag:s5], $0x1  }
0xb2: {  	s4 =	sor.u32 @!p0 s4, s6;
	[sflag:s5] =	ssyncadd.s32 @!p0 $0xFFFFFFFF  }
0xb3: {  	s25 =	simm.s32 $0x1B8E;
	s24 =	sld [smem:$0x3FFE];
	[sflag:s4] =	ssyncadd.remote.s32 @!p0 $0x1  }
0xb4: {  	s26 =	simm.s32 $execute0_lowered;
	[smem:$0x3FD2] =	sst s25  }
0xb5: {  	s5 =	sshll.u32 s26, $0x1;
	_ =	strace $0x80000049;
	[dreg:$0x1] =	wrdreg $0xFFFFFFFF  }
0xb6: {  	s28 =	simm.s32 $_size_execute0_lowered;
	s3 =	sadd.s32 s3, s5;
	[dreg:$0x0] =	wrdreg $0x0  }
0xb7: {  	s5 =	sshll.u32 s28, $0x1;
	[dreg:$0x2] =	wrdreg s3  }
0xb8: {  	[dreg:$0x3] =	wrdreg s5  }
0xb9: {  	[dreg:$0x4] =	wrdreg $0xC0  }
0xba: {  	_ =	task [dreg:s22], $0x5FFFF  }
0xbb: {  	[dreg:$0x1] =	wrdreg $0xFFFFFFFF  }
0xbc: {  	[dreg:$0x0] =	wrdreg $0x60  }
0xbd: {  	[dreg:$0x2] =	wrdreg s24  }
0xbe: {  	[dreg:$0x3] =	wrdreg $0x41000  }
0xbf: {  	[dreg:$0x4] =	wrdreg $0xA  }
0xc0: {  	_ =	task.clear_ibuf [dreg:s22], $0x5FFFF;
	_ =	strace $0x90000049  }
0xc1: {  	s29 =	simm.s32 $0xA;
	_ =	strace $0x8000004B  }
0xc2: {  	_ =	swait.ge [sflag:s29], $0x1  }
0xc3: {  	[sflag:s29] =	ssyncadd.s32 $0xFFFFFFFF  }
0xc4: {  	_ =	strace $0x9000004B  }
0xc5: {  	_ =	sfence  }
0xc6: {  	s30 =	sld [smem:$0x0];
	_ =	sdelay $0x2  }
0xc7: {  	s31 =	sshll.u32 s1, $0xD;
	s1 =	sshrl.u32 s1, $0x2  }
0xc8: {  	s4 =	sand.u32 $0x4000, s31;
	s1 =	sadd.s32 s1, s30  }
0xc9: {  	s0 =	sor.u32 s4, s0;
	s1 =	sshll.u32 s1, $0x11  }
0xca: {  	s0 =	sor.u32 s1, s0  }
0xcb: {  	s0 =	sadd.s32 $0x8F2B, s0  }
0xcc: {  	[sflag:s0] =	ssyncadd.remote.s32 $0x1  }
0xcd: {  	_ =	sfence.sel $0xFFFF  }
0xce: {  	[dreg:$0x0] =	wrdreg $0xFFFFFFFF;
	(pc) =	sbr.abs _section_cstart, $3  }
0xcf: {  	[dreg:$0x1] =	wrdreg $0xFFFFFFFF  }
0xd0: {  	_ =	task.clear_ibuf [dreg:s22], $0x2FFFF;
	_ =	strace $0x9FFFFFFF  }
0xd1: {  	(tm) =	ssettm $0x7FFFFFFF  }
tec
execute0_lowered:
.L_overlay_start_1:
0x0: {  	(tag) =	ssettag $0x1  }
0x1: {  	s4 =	rddreg [dreg:$0x0]  }
0x2: {  	s2 =	rddreg [dreg:$0x1]  }
0x3: {  	s0 =	rddreg [dreg:$0x2];
	s3 =	simm.s32 $0x0  }
0x4: {  	s1 =	stileid.u32;
	s6 =	srdreg.scid;
	s15 =	simm.s32 $0x4080  }
0x5: {  	s16 =	simm.s32 $0x1;
	s17 =	simm.s32 $0x80;
	s18 =	simm.s32 $0x2  }
0x6: {  	s19 =	simm.s32 $0x0;
	[smem:$0x7FF] =	sst s3;
	s5 =	smul.u32 $0x2800, s1  }
0x7: {  	s6 =	sand.u32 $0x1, s6;
	s11 =	sadd.s32 $0xA1000, s4;
	s10 =	smul.u32 $0x50000, s1  }
0x8: {  	s30 =	sshll.u32 s1, $0x6;
	_ =	strace $0x8000004A;
	s8 =	smul.u32 $0x28000, s6  }
0x9: {  	s9 =	sshll.u32 s6, $0x4;
	s23 =	ssub.s32 $0x2, s6;
	s6 =	sor.u32 $0x1C03, s30  }
0xa: {  	s7 =	sadd.s32 s5, s4;
	s9 =	sor.u32 s1, s9;
	s25 =	sshrl.u32 s23, $0x1  }
0xb: {  	s26 =	sshrl.u32 s10, $0x2;
	s12 =	sadd.s32 s5, s8;
	s24 =	smul.u32 $0x2800, s9  }
0xc: {  	s28 =	ssub.s32 s23, s25;
	s13 =	sadd.s32 s26, s2;
	s8 =	sadd.s32 s12, s4  }
0xd: {  	s4 =	sadd.s32 $0x29000, s7;
	s31 =	sor.u32 $0x100, s12;
	s12 =	sor.u32 $0x80, s12  }
0xe: {  	s9 =	smax.u32 s28, $0x1;
	s29 =	sshrl.u32 s24, $0x3;
	s8 =	sadd.s32 $0xAB000, s8  }
0xf: {  	s14 =	sshrl.u32 s31, $0x3;
	s12 =	sshrl.u32 s12, $0x3;
	s5 =	sadd.s32 s11, s29  }
0x10: {  	vm0 =	vcmask $0x300;
	v0 =	vimm.f32 $0.0e+00;
	s10 =	sadd.s32 s14, s11;
	s11 =	sadd.s32 s12, s11;
	s12 =	sshrl.u32 s13, $0x3  }
0x11: {  	v1 =	vsel vm0, $0x3F800000, v0;
	s13 =	simm.s32 $0x3;
	s14 =	simm.s32 $0x4000;
	s7 =	sadd.s32 $0x4F0, s5  }
.LBB2_1:
0x12: {  	s20 =	simm.s32 $0x0;
	s21 =	simm.s32 $0x200  }
.LBB2_2:
0x13: {  	p0 =	sne.s32 s21, $0xFE00;
	[tilespmem:s20+$0x70] =	vst v0  }
0x14: {  	[tilespmem:s20+$0x0] =	vst v1  }
0x15: {  	[tilespmem:s20+$0x10] =	vst v0  }
.Ltmp0:
0x16: {  	[tilespmem:s20+$0x20] =	vst v0;
	(pc) =	sbr.rel @p0 .LBB2_2-.Ltmp0, $4  }
0x17: {  	[tilespmem:s20+$0x30] =	vst v0  }
0x18: {  	[tilespmem:s20+$0x40] =	vst v0  }
0x19: {  	[tilespmem:s20+$0x50] =	vst v0  }
0x1a: {  	[tilespmem:s20+$0x60] =	vst v0;
	s20 =	sshra.s32 s21, $0x2;
	s21 =	sadd.s32 $0x200, s21  }
0x1b: {  	[tilespmem:s20+$0x70] =	vst v0  }
0x1c: {  	[tilespmem:s20+$0x0] =	vst v1  }
0x1d: {  	[tilespmem:s20+$0x10] =	vst v0  }
0x1e: {  	[tilespmem:s20+$0x20] =	vst v0  }
0x1f: {  	[tilespmem:s20+$0x30] =	vst v0  }
0x20: {  	[tilespmem:s20+$0x40] =	vst v0  }
0x21: {  	[tilespmem:s20+$0x50] =	vst v0  }
0x22: {  	[tilespmem:s20+$0x60] =	vst v0  }
0x23: {  	[spmem:s12], [sflag:s6] =	dma.local [hbm:s4], $0x2800  }
0x24: {  	_ =	swait.ge [sflag:s13], $0x2800  }
0x25: {  	[sflag:s13] =	ssyncset.done $0x0  }
0x26: {  	[sflag:s13] =	ssyncadd.s32 $0xFFFFD800  }
0x27: {  	s29 =	simm.s32 $0x0;
	[bflag:$0x0] =	sbarrier.arrive $0xFFFF  }
0x28: {  	[tilespmem:s14], [sflag:$0x1] =	stream.linear.gather [hbm4b:s5+s29], $0x80, $0x38;
	[tilespmem:$0x18100] =	vst v63  }
0x29: {  	s30 =	sadd.s32 $0x0, s11  }
0x2a: {  	[tilespmem:s15], [sflag:$0x2] =	stream.linear.gather [hbm4b:s30+s3], $0x80, $0x38;
	[tilespmem:$0x18100] =	vst v63  }
0x2b: {  	_ =	swait.ge [sflag:s16], $0x80  }
0x2c: {  	[sflag:s16] =	ssyncset.done $0x0  }
0x2d: {  	[sflag:s16] =	ssyncadd.s32 $0xFFFFFF80  }
0x2e: {  	[spmem:s2] =	stream.indirect.scatter.add.f32 [tilespmem:s3], [sflag:$0x3], $0x80, s14, s17, $0xb8;
	[tilespmem:$0x18100] =	vst v63  }
0x2f: {  	_ =	swait.ge [sflag:s13], $0x4000  }
0x30: {  	[sflag:s13] =	ssyncset.done $0x0  }
0x31: {  	s31 =	sadd.s32 $0x0, s10;
	[sflag:s13] =	ssyncadd.s32 $0xFFFFC000  }
0x32: {  	[tilespmem:s14], [sflag:$0x1] =	stream.linear.gather [hbm4b:s31+s3], $0x80, $0x38;
	[tilespmem:$0x18100] =	vst v63  }
0x33: {  	_ =	swait.ge [sflag:s18], $0x80  }
0x34: {  	[sflag:s18] =	ssyncset.done $0x0  }
0x35: {  	[sflag:s18] =	ssyncadd.s32 $0xFFFFFF80  }
0x36: {  	[spmem:s2] =	stream.indirect.scatter.add.f32 [tilespmem:s3], [sflag:$0x3], $0x80, s15, s17, $0xb8;
	[tilespmem:$0x18100] =	vst v63  }
0x37: {  	_ =	swait.ge [sflag:s13], $0x4000  }
0x38: {  	s20 =	simm.s32 $0x20;
	s21 =	simm.s32 $0x40;
	[sflag:s13] =	ssyncset.done $0x0  }
.LBB2_4:
0x39: {  	s22 =	sadd.s32 s20, s11  }
0x3a: {  	[sflag:s13] =	ssyncadd.s32 $0xFFFFC000;
	s23 =	smov.u32 s21;
	s24 =	sadd.s32 $0x20, s21  }
0x3b: {  	[tilespmem:s15], [sflag:$0x2] =	stream.linear.gather [hbm4b:s22+s3], $0x80, $0x38;
	[tilespmem:$0x18100] =	vst v63  }
0x3c: {  	p0 =	sne.s32 s21, $0x4C0;
	_ =	swait.ge [sflag:s16], $0x80  }
0x3d: {  	[sflag:s16] =	ssyncset.done $0x0  }
0x3e: {  	[sflag:s16] =	ssyncadd.s32 $0xFFFFFF80  }
0x3f: {  	[spmem:s2] =	stream.indirect.scatter.add.f32 [tilespmem:s3], [sflag:$0x3], $0x80, s14, s17, $0xb8;
	[tilespmem:$0x18100] =	vst v63  }
0x40: {  	_ =	swait.ge [sflag:s13], $0x4000  }
0x41: {  	[sflag:s13] =	ssyncset.done $0x0  }
0x42: {  	s21 =	sadd.s32 s20, s10;
	s20 =	smov.u32 s23;
	[sflag:s13] =	ssyncadd.s32 $0xFFFFC000  }
0x43: {  	[tilespmem:s14], [sflag:$0x1] =	stream.linear.gather [hbm4b:s21+s3], $0x80, $0x38;
	[tilespmem:$0x18100] =	vst v63  }
0x44: {  	_ =	swait.ge [sflag:s18], $0x80  }
.Ltmp1:
0x45: {  	[sflag:s18] =	ssyncset.done $0x0;
	(pc) =	sbr.rel @p0 .LBB2_4-.Ltmp1, $4  }
0x46: {  	[sflag:s18] =	ssyncadd.s32 $0xFFFFFF80  }
0x47: {  	[spmem:s2] =	stream.indirect.scatter.add.f32 [tilespmem:s3], [sflag:$0x3], $0x80, s15, s17, $0xb8;
	[tilespmem:$0x18100] =	vst v63  }
0x48: {  	_ =	swait.ge [sflag:s13], $0x4000  }
0x49: {  	s21 =	smov.u32 s24;
	[sflag:s13] =	ssyncset.done $0x0  }
0x4a: {  	s21 =	sadd.s32 s20, s11;
	[sflag:s13] =	ssyncadd.s32 $0xFFFFC000  }
0x4b: {  	[tilespmem:s15], [sflag:$0x2] =	stream.linear.gather [hbm4b:s21+s3], $0x80, $0x38;
	[tilespmem:$0x18100] =	vst v63  }
0x4c: {  	_ =	swait.ge [sflag:s16], $0x80  }
0x4d: {  	[sflag:s16] =	ssyncset.done $0x0  }
0x4e: {  	[sflag:s16] =	ssyncadd.s32 $0xFFFFFF80  }
0x4f: {  	[spmem:s2] =	stream.indirect.scatter.add.f32 [tilespmem:s3], [sflag:$0x3], $0x80, s14, s17, $0xb8;
	[tilespmem:$0x18100] =	vst v63  }
0x50: {  	_ =	swait.ge [sflag:s13], $0x4000  }
0x51: {  	[sflag:s13] =	ssyncset.done $0x0  }
0x52: {  	s31 =	sadd.s32 s20, s10;
	[sflag:s13] =	ssyncadd.s32 $0xFFFFC000  }
0x53: {  	[tilespmem:s14], [sflag:$0x1] =	stream.linear.gather [hbm4b:s31+s3], $0x80, $0x38;
	[tilespmem:$0x18100] =	vst v63  }
0x54: {  	_ =	swait.ge [sflag:s18], $0x80  }
0x55: {  	[sflag:s18] =	ssyncset.done $0x0  }
0x56: {  	[sflag:s18] =	ssyncadd.s32 $0xFFFFFF80  }
0x57: {  	[spmem:s2] =	stream.indirect.scatter.add.f32 [tilespmem:s3], [sflag:$0x3], $0x80, s15, s17, $0xb8;
	[tilespmem:$0x18100] =	vst v63  }
0x58: {  	_ =	swait.ge [sflag:s13], $0x4000  }
0x59: {  	[sflag:s13] =	ssyncset.done $0x0  }
0x5a: {  	[sflag:s13] =	ssyncadd.s32 $0xFFFFC000  }
0x5b: {  	[tilespmem:s15], [sflag:$0x2] =	stream.linear.gather [hbm4b:s7+s3], $0x80, $0x38;
	[tilespmem:$0x18100] =	vst v63  }
0x5c: {  	_ =	swait.ge [sflag:s16], $0x80  }
0x5d: {  	[sflag:s16] =	ssyncset.done $0x0  }
0x5e: {  	[sflag:s16] =	ssyncadd.s32 $0xFFFFFF80  }
0x5f: {  	[spmem:s2] =	stream.indirect.scatter.add.f32 [tilespmem:s3], [sflag:$0x3], $0x80, s14, s17, $0xb8;
	[tilespmem:$0x18100] =	vst v63  }
0x60: {  	_ =	swait.ge [sflag:s13], $0x4000  }
0x61: {  	[sflag:s13] =	ssyncset.done $0x0  }
0x62: {  	[sflag:s13] =	ssyncadd.s32 $0xFFFFC000  }
0x63: {  	_ =	swait.ge [sflag:s18], $0x80  }
0x64: {  	[sflag:s18] =	ssyncset.done $0x0  }
0x65: {  	[sflag:s18] =	ssyncadd.s32 $0xFFFFFF80  }
0x66: {  	[spmem:s2] =	stream.indirect.scatter.add.f32 [tilespmem:s3], [sflag:$0x3], $0x80, s15, s17, $0xb8;
	[tilespmem:$0x18100] =	vst v63  }
0x67: {  	_ =	swait.ge [sflag:s13], $0x4000  }
0x68: {  	s19 =	sadd.s32 $0x1, s19;
	[sflag:s13] =	ssyncset.done $0x0  }
0x69: {  	p0 =	sne.s32 s19, s9;
	[sflag:s13] =	ssyncadd.s32 $0xFFFFC000  }
.Ltmp2:
0x6a: {  	[bflag:$0x0] =	sbarrier.arrive $0xFFFF;
	(pc) =	sbr.rel @p0 .LBB2_1-.Ltmp2, $4  }
0x6b: {  	[hbm:s8], [sflag:s6] =	dma.local [spmem:s12], $0x2800  }
0x6c: {  	_ =	swait.ge [sflag:s13], $0x2800  }
0x6d: {  	[sflag:s13] =	ssyncset.done $0x0  }
0x6e: {  	[sflag:s13] =	ssyncadd.s32 $0xFFFFD800  }
0x6f: {  	_ =	sfence.sel $0x180000  }
0x70: {  	[bflag:$0x0] =	sbarrier.arrive $0xFFFF  }
0x71: {  	p0 =	sne.s32 s1, $0x0;
	_ =	strace $0x9000004A  }
0x72: {  	s0 =	sadd.s32 @!p0 $0x100000, s0;
	[bflag:$0x2] =	sbarrier.arrive $0xFFFF  }
0x73: {  	[sflag:s0] =	ssyncadd.tile.s32 @!p0 $0x1;
	_ =	shalt  }
.Lfunc_end2:
_tile_overlayer_lowered:
.L_overlay_start_2:
0x74: {  	(tag) =	ssettag $0x2  }
0x75: {  	s0 =	rddreg [dreg:$0x0];
	s2 =	stileid.u32  }
0x76: {  	s1 =	rddreg [dreg:$0x1];
	p0 =	sne.s32 s2, $0x0  }
0x77: {  	s3 =	rddreg [dreg:$0x2];
	[bflag:$0x3] =	sbarrier.arrive $0xFFFF;
	s2 =	simm.s32 @!p0 $0x1C03  }
0x78: {  	[timem:s3], [sflag:s2] =	dma.local @!p0 [hbm:s0], s1  }
0x79: {  	s0 =	simm.s32 @!p0 $0x3  }
0x7a: {  	_ =	swait.ge @!p0 [sflag:s0], s1  }
0x7b: {  	s1 =	ssub.s32 @!p0 $0x0, s1;
	[sflag:s0] =	ssyncset.done @!p0 $0x0  }
0x7c: {  	[sflag:s0] =	ssyncadd.s32 @!p0 s1  }
0x7d: {  	[bflag:$0x3] =	sbarrier.arrive $0xFFFF  }
0x7e: {  	_ =	shalt  }

// kernel: sc_sums.3.cloned.1.call-start
scs
__scs_entry_jumppad:
0x0: {  	(pc) =	sbr.rel $0x88, $3  }
0x1: {  	(tag) =	ssettag $0x0;
	lr =	simm.s32 $0x1  }
0x2: {  	[smem:$0x3F9D] =	sst lr;
	_ =	strace $0xD0000000  }
0x3: {  	_ = 	snop  }
0x4: {  	_ = 	snop  }
0x5: {  	_ = 	snop  }
0x6: {  	_ = 	snop  }
0x7: {  	_ = 	snop  }
__scs_overlays_trampoline_lowered:
0x8: {  	[smem:$0x3FAC] =	sst s0  }
0x9: {  	[smem:$0x3FAD] =	sst s1  }
0xa: {  	[smem:$0x3FAE] =	sst s2  }
0xb: {  	[smem:$0x3FAF] =	sst s3  }
0xc: {  	[smem:$0x3FB0] =	sst s4  }
0xd: {  	[smem:$0x3FB1] =	sst s5  }
0xe: {  	[smem:$0x3FB2] =	sst s6  }
0xf: {  	[smem:$0x3FB3] =	sst s7  }
0x10: {  	[smem:$0x3FB4] =	sst s8  }
0x11: {  	[smem:$0x3FB5] =	sst s9;
	s0 =	simm.s32 @!p0 $0x0  }
0x12: {  	s1 =	sld [smem:$0x3F9B];
	s0 =	simm.s32 @p0 $0x1  }
0x13: {  	[smem:$0x3FB6] =	sst s0;
	s0 =	simm.s32 @!p1 $0x0  }
0x14: {  	s2 =	sld [smem:$0x3F9A];
	s0 =	simm.s32 @p1 $0x1  }
0x15: {  	[smem:$0x3FB7] =	sst s0;
	s0 =	simm.s32 @!p2 $0x0  }
0x16: {  	s3 =	sld [smem:$0x3FDB];
	s0 =	simm.s32 @p2 $0x1  }
0x17: {  	s4 =	simm.s32 $0x1BF5;
	[smem:$0x3FB9] =	sst s0  }
0x18: {  	s0 =	sld [smem:$0x3F9C];
	_ =	swait.ge [sflag:s4], $0x0  }
0x19: {  	s7 =	sld [smem:$0x3F9D]  }
0x1a: {  	s8 =	sadd.s32 $0xFFFFE003, lr  }
0x1b: {  	s9 =	sadd.s32 $0xFFFFFEF7, lr;
	s5 =	simm.s32 $0xFFFFFFFF;
	p2 =	slt.u32 s8, $0xFFFFF086  }
0x1c: {  	p1 =	slt.u32 s9, $0xF7A;
	s5 =	simm.s32 @!p2 $0x0  }
0x1d: {  	s5 =	simm.s32 @p1 $0x1;
	p0 =	seq.s32 s7, s2  }
0x1e: {  	s7 =	smul.u32 @!p0 $0xF7A, s2;
	p2 =	seq.s32 @!p0 s5, $0x0  }
0x1f: {  	s9 =	smul.u32 $0xF7A, s1;
	s8 =	simm.s32 @!p0 $0x1BF5;
	p2 =	por !p2, p0  }
0x20: {  	[sflag:s8] =	ssyncset.s32 @!p0 $0xFFFFF086;
	s6 =	sadd.s32 @!p0 s3, s7;
	s7 =	simm.s32 @!p0 $0x108  }
0x21: {  	s3 =	sadd.s32 s3, s9;
	s6 =	sadd.s32 @!p0 $0x88, s6;
	s7 =	simm.s32 @p2 $0x1082  }
0x22: {  	[simem:s7], [sflag:s8] =	dma.local @!p0 [hbm:s6], $0xF7A  }
0x23: {  	s9 =	sor.u32 $0xD0000000, s2;
	s6 =	simm.s32 $0x108;
	_ =	swait.ge @!p0 [sflag:s8], $0x0  }
0x24: {  	s3 =	sadd.s32 $0x88, s3;
	s6 =	simm.s32 @!p1 $0x1082;
	[sflag:s4] =	ssyncset.s32 $0xFFFFF086  }
0x25: {  	[simem:s6], [sflag:s4] =	dma.local [hbm:s3], $0xF7A  }
0x26: {  	[smem:$0x3F9D] =	sst s1;
	(tag) =	ssettag s2;
	_ =	strace s9  }
0x27: {  	s1 =	sld [smem:$0x3FAD]  }
0x28: {  	s2 =	sld [smem:$0x3FAE]  }
0x29: {  	s4 =	sld [smem:$0x3FB0]  }
0x2a: {  	p0 =	seq.s32 s5, $0x0;
	s5 =	sld [smem:$0x3FB1]  }
0x2b: {  	s6 =	sld [smem:$0x3FB2]  }
0x2c: {  	s7 =	sld [smem:$0x3FB3]  }
0x2d: {  	s3 =	simm.s32 $0x108;
	s8 =	sld [smem:$0x3FB4]  }
0x2e: {  	s3 =	simm.s32 @!p0 $0x1082;
	s9 =	sld [smem:$0x3FB5]  }
0x2f: {  	lr =	sadd.s32 s0, s3;
	s0 =	sld [smem:$0x3FAC]  }
0x30: {  	s3 =	sld [smem:$0x3FAF]  }
0x31: {  	[smem:$0x3FB8] =	sst s10  }
0x32: {  	s10 =	sld [smem:$0x3FB6];
	_ =	sdelay $0x3  }
0x33: {  	p0 =	seq.s32 s10, $0x1;
	s10 =	sld [smem:$0x3FB8];
	_ =	sdelay $0x3  }
0x34: {  	[smem:$0x3FB8] =	sst s10  }
0x35: {  	s10 =	sld [smem:$0x3FB7];
	_ =	sdelay $0x3  }
0x36: {  	p1 =	seq.s32 s10, $0x1;
	s10 =	sld [smem:$0x3FB8];
	_ =	sdelay $0x3  }
0x37: {  	[smem:$0x3FB8] =	sst s10  }
0x38: {  	s10 =	sld [smem:$0x3FB9]  }
0x39: {  	_ = 	snop;
	(pc) =	sbr.ind lr, $3  }
0x3a: {  	_ = 	snop  }
0x3b: {  	_ = 	snop  }
0x3c: {  	p2 =	seq.s32 s10, $0x1;
	s10 =	sld [smem:$0x3FB8]  }
0x3d: {  	_ =	shalt  }
0x3e: {  	_ =	shalt  }
0x3f: {  	_ =	shalt  }
0x40: {  	_ =	shalt  }
0x41: {  	_ =	shalt  }
0x42: {  	_ =	shalt  }
0x43: {  	_ =	shalt  }
0x44: {  	_ =	shalt  }
0x45: {  	_ =	shalt  }
0x46: {  	_ =	shalt  }
0x47: {  	_ =	shalt  }
0x48: {  	_ =	shalt  }
0x49: {  	_ =	shalt  }
0x4a: {  	_ =	shalt  }
0x4b: {  	_ =	shalt  }
0x4c: {  	_ =	shalt  }
0x4d: {  	_ =	shalt  }
0x4e: {  	_ =	shalt  }
0x4f: {  	_ =	shalt  }
0x50: {  	_ =	shalt  }
0x51: {  	_ =	shalt  }
0x52: {  	_ =	shalt  }
0x53: {  	_ =	shalt  }
0x54: {  	_ =	shalt  }
0x55: {  	_ =	shalt  }
0x56: {  	_ =	shalt  }
0x57: {  	_ =	shalt  }
0x58: {  	_ =	shalt  }
0x59: {  	_ =	shalt  }
0x5a: {  	_ =	shalt  }
0x5b: {  	_ =	shalt  }
0x5c: {  	_ =	shalt  }
0x5d: {  	_ =	shalt  }
0x5e: {  	_ =	shalt  }
0x5f: {  	_ =	shalt  }
0x60: {  	_ =	shalt  }
0x61: {  	_ =	shalt  }
0x62: {  	_ =	shalt  }
0x63: {  	_ =	shalt  }
0x64: {  	_ =	shalt  }
0x65: {  	_ =	shalt  }
0x66: {  	_ =	shalt  }
0x67: {  	_ =	shalt  }
0x68: {  	_ =	shalt  }
0x69: {  	_ =	shalt  }
0x6a: {  	_ =	shalt  }
0x6b: {  	_ =	shalt  }
0x6c: {  	_ =	shalt  }
0x6d: {  	_ =	shalt  }
0x6e: {  	_ =	shalt  }
0x6f: {  	_ =	shalt  }
0x70: {  	_ =	shalt  }
0x71: {  	_ =	shalt  }
0x72: {  	_ =	shalt  }
0x73: {  	_ =	shalt  }
0x74: {  	_ =	shalt  }
0x75: {  	_ =	shalt  }
0x76: {  	_ =	shalt  }
0x77: {  	_ =	shalt  }
0x78: {  	_ =	shalt  }
0x79: {  	_ =	shalt  }
0x7a: {  	_ =	shalt  }
0x7b: {  	_ =	shalt  }
0x7c: {  	_ =	shalt  }
0x7d: {  	_ =	shalt  }
0x7e: {  	_ =	shalt  }
0x7f: {  	_ =	shalt  }
0x80: {  	_ =	shalt  }
0x81: {  	_ =	shalt  }
0x82: {  	_ =	shalt  }
0x83: {  	_ =	shalt  }
0x84: {  	_ =	shalt  }
0x85: {  	_ =	shalt  }
0x86: {  	_ =	shalt  }
0x87: {  	_ =	shalt  }
.Lfunc_end0:
.L_simem_size_0:
called_computation_lowered:
.L_overlay_start_0:
0x88: {  	s2 =	sld [smem:$0x3FD9]  }
0x89: {  	s3 =	sld [smem:$0x3FFE];
	_ =	sdelay $0x1  }
0x8a: {  	s1 =	srdreg.scid  }
0x8b: {  	s0 =	sand.u32 $0x1, s1  }
0x8c: {  	s17 =	sshll.u32 s0, $0xA;
	s2 =	sadd.s32 s3, s2  }
0x8d: {  	s2 =	sadd.s32 s2, s17  }
0x8e: {  	[smem:$0x3FC4] =	sst s2  }
0x8f: {  	_ = 	snop  }
0x90: {  	s2 =	sld [smem:$0x3FD0];
	(tm) =	ssettm $0x1  }
0x91: {  	s18 =	sld [smem:$0x3FFB];
	_ =	sdelay $0x3  }
0x92: {  	_ =	strace s18  }
0x93: {  	s3 =	sld [smem:$0x3FFC];
	_ =	sdelay $0x3  }
0x94: {  	_ =	strace s3  }
0x95: {  	s3 =	sld [smem:$0x3FFD];
	_ =	sdelay $0x3  }
0x96: {  	_ =	strace s3  }
0x97: {  	_ =	strace $0x8FFFFFFF  }
0x98: {  	s19 =	sld [smem:$0x3FDB];
	_ =	sdelay $0x1  }
0x99: {  	s4 =	simm.s32 $_scs_section_size  }
0x9a: {  	s5 =	simm.s32 $_size__tile_overlayer_lowered;
	s6 =	simm.s32 $_tile_overlayer_lowered  }
0x9b: {  	s22 =	simm.s32 $0x1BFF;
	s21 =	sshll.u32 s6, $0x1;
	s3 =	sadd.s32 s4, s19  }
0x9c: {  	s7 =	simm.s32 $0x0;
	s20 =	sshll.u32 s5, $0x1;
	s5 =	sadd.s32 s21, s3  }
0x9d: {  	[timem:s7], [sflag:s22] =	dma.local [hbm:s5], s20  }
0x9e: {  	_ =	swait.ge [sflag:s22], s20  }
0x9f: {  	s4 =	ssub.s32 $0x0, s20;
	[sflag:s22] =	ssyncset.done $0x0  }
0xa0: {  	[sflag:s22] =	ssyncadd.s32 s4;
	_ =	sdelay $0x1  }
0xa1: {  	s23 =	simm.s32 $0x1B8B  }
0xa2: {  	_ =	swait.ge [sflag:s23], $0x1  }
0xa3: {  	[sflag:s23] =	ssyncset.done $0x0  }
0xa4: {  	s25 =	simm.s32 $0x1B8E;
	s24 =	sld [smem:$0x3FFE];
	[sflag:s23] =	ssyncadd.s32 $0xFFFFFFFF  }
0xa5: {  	s26 =	simm.s32 $execute0_lowered;
	[smem:$0x3FD2] =	sst s25  }
0xa6: {  	s5 =	sshll.u32 s26, $0x1;
	_ =	strace $0x80000046;
	[dreg:$0x1] =	wrdreg $0xFFFFFFFF  }
0xa7: {  	s28 =	simm.s32 $_size_execute0_lowered;
	s3 =	sadd.s32 s3, s5;
	[dreg:$0x0] =	wrdreg $0x0  }
0xa8: {  	s5 =	sshll.u32 s28, $0x1;
	[dreg:$0x2] =	wrdreg s3  }
0xa9: {  	[dreg:$0x3] =	wrdreg s5  }
0xaa: {  	[dreg:$0x4] =	wrdreg $0xC0  }
0xab: {  	_ =	task [dreg:s7], $0x5FFFF  }
0xac: {  	[dreg:$0x1] =	wrdreg $0xFFFFFFFF  }
0xad: {  	[dreg:$0x0] =	wrdreg $0x60  }
0xae: {  	[dreg:$0x2] =	wrdreg s24  }
0xaf: {  	[dreg:$0x3] =	wrdreg s2  }
0xb0: {  	[dreg:$0x4] =	wrdreg $0x82000  }
0xb1: {  	[dreg:$0x5] =	wrdreg $0x9  }
0xb2: {  	_ =	task.clear_ibuf [dreg:s7], $0x6FFFF;
	_ =	strace $0x90000046  }
0xb3: {  	s29 =	simm.s32 $0x9;
	_ =	strace $0x80000048  }
0xb4: {  	_ =	swait.ge [sflag:s29], $0x1  }
0xb5: {  	[sflag:s29] =	ssyncadd.s32 $0xFFFFFFFF  }
0xb6: {  	_ =	strace $0x90000048  }
0xb7: {  	_ =	sfence  }
0xb8: {  	s30 =	sld [smem:$0x0];
	_ =	sdelay $0x2  }
0xb9: {  	s31 =	sshll.u32 s1, $0xD;
	s1 =	sshrl.u32 s1, $0x2  }
0xba: {  	s3 =	sand.u32 $0x4000, s31;
	s1 =	sadd.s32 s1, s30  }
0xbb: {  	s0 =	sor.u32 s3, s0;
	s1 =	sshll.u32 s1, $0x11  }
0xbc: {  	s0 =	sor.u32 s1, s0  }
0xbd: {  	s0 =	sadd.s32 $0x8F2B, s0  }
0xbe: {  	[sflag:s0] =	ssyncadd.remote.s32 $0x1  }
0xbf: {  	_ =	sfence.sel $0xFFFF  }
0xc0: {  	[dreg:$0x0] =	wrdreg $0xFFFFFFFF;
	(pc) =	sbr.abs _section_cstart, $3  }
0xc1: {  	[dreg:$0x1] =	wrdreg $0xFFFFFFFF  }
0xc2: {  	_ =	task.clear_ibuf [dreg:s7], $0x2FFFF;
	_ =	strace $0x9FFFFFFF  }
0xc3: {  	(tm) =	ssettm $0x7FFFFFFF  }
tec
execute0_lowered:
.L_overlay_start_1:
0x0: {  	(tag) =	ssettag $0x1  }
0x1: {  	s5 =	rddreg [dreg:$0x0]  }
0x2: {  	s9 =	rddreg [dreg:$0x1]  }
0x3: {  	s1 =	rddreg [dreg:$0x2]  }
0x4: {  	s0 =	rddreg [dreg:$0x3];
	s3 =	simm.s32 $0x0;
	s4 =	srdreg.scid  }
0x5: {  	s2 =	stileid.u32;
	s16 =	simm.s32 $0x4100;
	s17 =	simm.s32 $0x4  }
0x6: {  	s18 =	simm.s32 $0x1;
	s19 =	simm.s32 $0x4200;
	s20 =	simm.s32 $0x3  }
0x7: {  	s21 =	simm.s32 $0x2;
	s22 =	simm.s32 $0x4180;
	s23 =	simm.s32 $0x0  }
0x8: {  	[smem:$0x7FF] =	sst s3;
	s7 =	sand.u32 $0x1, s4;
	s10 =	smul.u32 $0x2800, s2  }
0x9: {  	s4 =	sadd.s32 $0x1000, s5;
	s12 =	smul.u32 $0x50000, s2;
	s14 =	sadd.s32 $0x29000, s5  }
0xa: {  	s30 =	smul.u32 $0xA00, s2;
	s31 =	sshll.u32 s2, $0x6;
	_ =	strace $0x80000047  }
0xb: {  	s6 =	smul.u32 $0x28000, s7;
	s8 =	sshll.u32 s7, $0x4;
	s11 =	ssub.s32 $0x2, s7  }
0xc: {  	p0 =	seq.s32 s7, $0x1;
	s29 =	smul.u32 $0xA000, s7;
	s8 =	sor.u32 s2, s8  }
0xd: {  	s13 =	sshrl.u32 s11, $0x1;
	s28 =	sshrl.u32 s12, $0x2;
	s6 =	sadd.s32 s10, s6  }
0xe: {  	s8 =	smul.u32 $0xA00, s8;
	s11 =	ssub.s32 s11, s13;
	s12 =	sadd.s32 s28, s1  }
0xf: {  	s13 =	sadd.s32 s29, s9;
	s15 =	sadd.s32 s6, s5;
	s12 =	sshrl.u32 s12, $0x3  }
0x10: {  	s5 =	sadd.s32 s9, s8;
	s8 =	smax.u32 s11, $0x1;
	s11 =	smov.u32 s4  }
0x11: {  	s7 =	sadd.s32 $0x51000, s15;
	s15 =	simm.s32 $0x100;
	s11 =	smov.u32 @p0 s14  }
0x12: {  	s6 =	sadd.s32 $0x20, s5;
	s14 =	simm.s32 $0x80;
	s9 =	sadd.s32 s11, s10  }
0x13: {  	s10 =	sor.u32 $0x1C05, s31;
	s11 =	sadd.s32 s30, s13;
	s13 =	simm.s32 $0x5  }
.LBB2_1:
0x14: {  	[spmem:s12], [sflag:s10] =	dma.local [hbm:s9], $0x2800  }
0x15: {  	_ =	swait.ge [sflag:s13], $0x2800  }
0x16: {  	[sflag:s13] =	ssyncset.done $0x0  }
0x17: {  	[sflag:s13] =	ssyncadd.s32 $0xFFFFD800  }
0x18: {  	[bflag:$0x0] =	sbarrier.arrive $0xFFFF  }
0x19: {  	[tilespmem:s3], [sflag:$0x5] =	stream.linear.gather [hbm4b:s5+s3], $0x100, $0x38;
	[tilespmem:$0x1C200] =	vst v63  }
0x1a: {  	_ =	swait.ge [sflag:s13], $0x100  }
0x1b: {  	[sflag:s13] =	ssyncset.done $0x0  }
0x1c: {  	[sflag:s13] =	ssyncadd.s32 $0xFFFFFF00  }
0x1d: {  	[tilespmem:s15], [sflag:$0x1] =	stream.indirect.gather [hbm4b:s4+s14], $0x80, s3, s14, $0xb8;
	[tilespmem:$0x1C200] =	vst v63  }
0x1e: {  	_ = 	snop  }
0x1f: {  	[tilespmem:s16], [sflag:$0x4] =	stream.linear.gather [hbm4b:s6+s3], $0x100, $0x38;
	[tilespmem:$0x1C200] =	vst v63  }
0x20: {  	_ =	swait.ge [sflag:s17], $0x100  }
0x21: {  	[sflag:s17] =	ssyncset.done $0x0  }
0x22: {  	[sflag:s17] =	ssyncadd.s32 $0xFFFFFF00  }
0x23: {  	_ =	swait.ge [sflag:s18], $0x4000  }
0x24: {  	[sflag:s18] =	ssyncset.done $0x0  }
0x25: {  	[sflag:s18] =	ssyncadd.s32 $0xFFFFC000  }
0x26: {  	[tilespmem:s19], [sflag:$0x2] =	stream.indirect.gather [hbm4b:s4+s14], $0x80, s16, s14, $0xb8;
	[tilespmem:$0x1C200] =	vst v63  }
0x27: {  	_ = 	snop  }
0x28: {  	[spmem:s1] =	stream.indirect.scatter.add.f32 [tilespmem:s15], [sflag:$0x5], $0x80, s14, s14, $0xb8;
	[tilespmem:$0x1C200] =	vst v63  }
0x29: {  	_ =	swait.ge [sflag:s13], $0x4000  }
0x2a: {  	s25 =	sadd.s32 $0xFFFFF640, s11;
	[sflag:s13] =	ssyncset.done $0x0  }
0x2b: {  	s24 =	sadd.s32 $0xA00, s25;
	[sflag:s13] =	ssyncadd.s32 $0xFFFFC000  }
0x2c: {  	[tilespmem:s3], [sflag:$0x3] =	stream.linear.gather [hbm4b:s24+s3], $0x100, $0x38;
	[tilespmem:$0x1C200] =	vst v63  }
0x2d: {  	_ =	swait.ge [sflag:s20], $0x100  }
0x2e: {  	[sflag:s20] =	ssyncset.done $0x0  }
0x2f: {  	[sflag:s20] =	ssyncadd.s32 $0xFFFFFF00  }
0x30: {  	_ =	swait.ge [sflag:s21], $0x4000  }
0x31: {  	[sflag:s21] =	ssyncset.done $0x0  }
0x32: {  	[sflag:s21] =	ssyncadd.s32 $0xFFFFC000  }
0x33: {  	[tilespmem:s15], [sflag:$0x1] =	stream.indirect.gather [hbm4b:s4+s14], $0x80, s3, s14, $0xb8;
	[tilespmem:$0x1C200] =	vst v63  }
0x34: {  	_ = 	snop  }
0x35: {  	[spmem:s1] =	stream.indirect.scatter.add.f32 [tilespmem:s19], [sflag:$0x5], $0x80, s22, s14, $0xb8;
	[tilespmem:$0x1C200] =	vst v63  }
0x36: {  	_ =	swait.ge [sflag:s13], $0x4000  }
0x37: {  	[sflag:s13] =	ssyncset.done $0x0  }
0x38: {  	s25 =	sadd.s32 $0xA20, s25;
	s24 =	simm.s32 $0xFFFFF680;
	[sflag:s13] =	ssyncadd.s32 $0xFFFFC000  }
.LBB2_2:
0x39: {  	[tilespmem:s16], [sflag:$0x4] =	stream.linear.gather [hbm4b:s25+s3], $0x100, $0x38;
	[tilespmem:$0x1C200] =	vst v63  }
0x3a: {  	s25 =	smov.u32 s24  }
0x3b: {  	p0 =	sne.s32 s24, $0xFFFFFFC0;
	s24 =	sadd.s32 $0x40, s24;
	_ =	swait.ge [sflag:s17], $0x100  }
0x3c: {  	[sflag:s17] =	ssyncset.done $0x0  }
0x3d: {  	[sflag:s17] =	ssyncadd.s32 $0xFFFFFF00  }
0x3e: {  	_ =	swait.ge [sflag:s18], $0x4000  }
0x3f: {  	[sflag:s18] =	ssyncset.done $0x0  }
0x40: {  	[sflag:s18] =	ssyncadd.s32 $0xFFFFC000  }
0x41: {  	[tilespmem:s19], [sflag:$0x2] =	stream.indirect.gather [hbm4b:s4+s14], $0x80, s16, s14, $0xb8;
	[tilespmem:$0x1C200] =	vst v63  }
0x42: {  	_ = 	snop  }
0x43: {  	[spmem:s1] =	stream.indirect.scatter.add.f32 [tilespmem:s15], [sflag:$0x5], $0x80, s14, s14, $0xb8;
	[tilespmem:$0x1C200] =	vst v63  }
0x44: {  	_ =	swait.ge [sflag:s13], $0x4000  }
0x45: {  	s25 =	sadd.s32 s25, s11;
	[sflag:s13] =	ssyncset.done $0x0  }
0x46: {  	s26 =	sadd.s32 $0xA00, s25;
	[sflag:s13] =	ssyncadd.s32 $0xFFFFC000  }
0x47: {  	[tilespmem:s3], [sflag:$0x3] =	stream.linear.gather [hbm4b:s26+s3], $0x100, $0x38;
	[tilespmem:$0x1C200] =	vst v63  }
0x48: {  	_ =	swait.ge [sflag:s20], $0x100  }
0x49: {  	[sflag:s20] =	ssyncset.done $0x0  }
0x4a: {  	[sflag:s20] =	ssyncadd.s32 $0xFFFFFF00  }
0x4b: {  	_ =	swait.ge [sflag:s21], $0x4000  }
0x4c: {  	[sflag:s21] =	ssyncset.done $0x0  }
0x4d: {  	[sflag:s21] =	ssyncadd.s32 $0xFFFFC000  }
0x4e: {  	[tilespmem:s15], [sflag:$0x1] =	stream.indirect.gather [hbm4b:s4+s14], $0x80, s3, s14, $0xb8;
	[tilespmem:$0x1C200] =	vst v63  }
.Ltmp0:
0x4f: {  	(pc) =	sbr.rel @p0 .LBB2_2-.Ltmp0, $4  }
0x50: {  	[spmem:s1] =	stream.indirect.scatter.add.f32 [tilespmem:s19], [sflag:$0x5], $0x80, s22, s14, $0xb8;
	[tilespmem:$0x1C200] =	vst v63  }
0x51: {  	_ =	swait.ge [sflag:s13], $0x4000  }
0x52: {  	[sflag:s13] =	ssyncset.done $0x0  }
0x53: {  	s25 =	sadd.s32 $0xA20, s25;
	[sflag:s13] =	ssyncadd.s32 $0xFFFFC000  }
0x54: {  	[tilespmem:s16], [sflag:$0x4] =	stream.linear.gather [hbm4b:s25+s3], $0x100, $0x38;
	[tilespmem:$0x1C200] =	vst v63  }
0x55: {  	_ =	swait.ge [sflag:s17], $0x100  }
0x56: {  	[sflag:s17] =	ssyncset.done $0x0  }
0x57: {  	[sflag:s17] =	ssyncadd.s32 $0xFFFFFF00  }
0x58: {  	_ =	swait.ge [sflag:s18], $0x4000  }
0x59: {  	[sflag:s18] =	ssyncset.done $0x0  }
0x5a: {  	[sflag:s18] =	ssyncadd.s32 $0xFFFFC000  }
0x5b: {  	[tilespmem:s19], [sflag:$0x2] =	stream.indirect.gather [hbm4b:s4+s14], $0x80, s16, s14, $0xb8;
	[tilespmem:$0x1C200] =	vst v63  }
0x5c: {  	_ = 	snop  }
0x5d: {  	[spmem:s1] =	stream.indirect.scatter.add.f32 [tilespmem:s15], [sflag:$0x5], $0x80, s14, s14, $0xb8;
	[tilespmem:$0x1C200] =	vst v63  }
0x5e: {  	_ =	swait.ge [sflag:s13], $0x4000  }
0x5f: {  	[sflag:s13] =	ssyncset.done $0x0  }
0x60: {  	[sflag:s13] =	ssyncadd.s32 $0xFFFFC000  }
0x61: {  	_ =	swait.ge [sflag:s21], $0x4000  }
0x62: {  	[sflag:s21] =	ssyncset.done $0x0  }
0x63: {  	[sflag:s21] =	ssyncadd.s32 $0xFFFFC000  }
0x64: {  	[spmem:s1] =	stream.indirect.scatter.add.f32 [tilespmem:s19], [sflag:$0x5], $0x80, s22, s14, $0xb8;
	[tilespmem:$0x1C200] =	vst v63  }
0x65: {  	_ =	swait.ge [sflag:s13], $0x4000  }
0x66: {  	s23 =	sadd.s32 $0x1, s23;
	[sflag:s13] =	ssyncset.done $0x0  }
0x67: {  	p0 =	sne.s32 s23, s8;
	[sflag:s13] =	ssyncadd.s32 $0xFFFFC000  }
.Ltmp1:
0x68: {  	[bflag:$0x0] =	sbarrier.arrive $0xFFFF;
	(pc) =	sbr.rel @p0 .LBB2_1-.Ltmp1, $4  }
0x69: {  	[hbm:s7], [sflag:s10] =	dma.local [spmem:s12], $0x2800  }
0x6a: {  	_ =	swait.ge [sflag:s13], $0x2800  }
0x6b: {  	[sflag:s13] =	ssyncset.done $0x0  }
0x6c: {  	[sflag:s13] =	ssyncadd.s32 $0xFFFFD800  }
0x6d: {  	_ =	sfence.sel $0x180000  }
0x6e: {  	[bflag:$0x0] =	sbarrier.arrive $0xFFFF  }
0x6f: {  	p0 =	sne.s32 s2, $0x0;
	_ =	strace $0x90000047  }
0x70: {  	s0 =	sadd.s32 @!p0 $0x100000, s0;
	[bflag:$0x2] =	sbarrier.arrive $0xFFFF  }
0x71: {  	[sflag:s0] =	ssyncadd.tile.s32 @!p0 $0x1;
	_ =	shalt  }
.Lfunc_end2:
_tile_overlayer_lowered:
.L_overlay_start_2:
0x72: {  	(tag) =	ssettag $0x2  }
0x73: {  	s0 =	rddreg [dreg:$0x0];
	s2 =	stileid.u32  }
0x74: {  	s1 =	rddreg [dreg:$0x1];
	p0 =	sne.s32 s2, $0x0  }
0x75: {  	s3 =	rddreg [dreg:$0x2];
	[bflag:$0x3] =	sbarrier.arrive $0xFFFF;
	s2 =	simm.s32 @!p0 $0x1C05  }
0x76: {  	[timem:s3], [sflag:s2] =	dma.local @!p0 [hbm:s0], s1  }
0x77: {  	s0 =	simm.s32 @!p0 $0x5  }
0x78: {  	_ =	swait.ge @!p0 [sflag:s0], s1  }
0x79: {  	s1 =	ssub.s32 @!p0 $0x0, s1;
	[sflag:s0] =	ssyncset.done @!p0 $0x0  }
0x7a: {  	[sflag:s0] =	ssyncadd.s32 @!p0 s1  }
0x7b: {  	[bflag:$0x3] =	sbarrier.arrive $0xFFFF  }
0x7c: {  	_ =	shalt  }

</sc_bundles>
